<compile_context>
chip_gen: v7x
topology: tpu7x:2x2x1
jax: 0.10.2.dev20260603
libtpu: 0.0.44.dev20260713+nightly
codegen_flags: <defaults>
</compile_context>

<pallas_src>
import functools

import jax
import jax.numpy as jnp
from jax import lax
from jax.experimental import pallas as pl
from jax.experimental.pallas import tpu as pltpu
from jax.experimental.pallas import tpu_sc as plsc

B, T = 16384, 200
D = 64
DP = 128
TP = 1024
NG = 2
L = B * T
NC, NS = 2, 16
NW = NC * NS
ROWS_W = B // NW
NBUF = 2
VL = 16
RU = 4


def _make_kernel():
    mesh = plsc.VectorSubcoreMesh(core_axis_name="c", subcore_axis_name="s")

    @functools.partial(
        pl.kernel,
        mesh=mesh,
        out_type=jax.ShapeDtypeStruct((B, T, D), jnp.float32),
        scratch_types=[
            pltpu.VMEM((NBUF, TP // 128, 128), jnp.int32),
            pltpu.VMEM((NBUF, NG * 128, DP), jnp.float32),
            pltpu.VMEM((NBUF, 1, T, D), jnp.float32),
            pltpu.SemaphoreType.DMA((NBUF,)),
            pltpu.SemaphoreType.DMA((NBUF,)),
            pltpu.SemaphoreType.DMA((NBUF,)),
        ],
    )
    def k(idx_hbm, table_hbm, out_hbm, idx_v, rows_a, rows_b,
          sem_i, sem_g, sem_o):
        wid = lax.axis_index("s") * NC + lax.axis_index("c")
        bw0 = wid * ROWS_W

        def idx_copy(g, b):
            return pltpu.make_async_copy(
                idx_hbm.at[bw0 + lax.min(g, ROWS_W - 1)],
                idx_v.at[b], sem_i.at[b])

        def gathers(b):
            return [
                pltpu.make_async_copy(
                    table_hbm.at[idx_v.at[b, j]],
                    rows_a.at[b, pl.ds(j * 128, 128)], sem_g.at[b])
                for j in range(NG)
            ]

        def out_copy(bw, b):
            return pltpu.make_async_copy(
                rows_b.at[b], out_hbm.at[pl.ds(bw, 1)], sem_o.at[b])

        def repack(b):
            def rows(r, carry):
                for u in range(RU):
                    for v in range(D // VL):
                        s = pl.ds(v * VL, VL)
                        rows_b.at[b, 0][r * RU + u, s] = rows_a.at[b][r * RU + u, s]
                return carry
            lax.fori_loop(0, T // RU, rows, 0)

        for b in range(NBUF):
            idx_copy(b, b).start()
        idx_copy(0, 0).wait()
        for cp in gathers(0):
            cp.start()

        def chunk_step(t, g, b):
            for cp in gathers(b):
                cp.wait()
            idx_copy(g + 2, b).start()
            idx_copy(g + 1, 1 - b).wait()
            for cp in gathers(1 - b):
                cp.start()
            @pl.when(t >= 1)
            def _():
                out_copy(bw0, b).wait()
            repack(b)
            out_copy(bw0 + g, b).start()

        def body(t, carry):
            for par in range(2):
                chunk_step(t, t * 2 + par, par)
            return carry

        lax.fori_loop(0, ROWS_W // 2, body, 0)

        for cp in gathers(0):
            cp.wait()
        for b in range(NBUF):
            out_copy(bw0, b).wait()
        idx_copy(ROWS_W - 1, 1).wait()

    return k


_gather_kernel = _make_kernel()


def kernel(indices, table):
    idx_p = jnp.pad(indices.astype(jnp.int32), ((0, 0), (0, TP - T)))
    idx_3d = idx_p.reshape(B, TP // 128, 128)
    table_p = jnp.pad(table, ((0, 0), (0, DP - D)))
    return _gather_kernel(idx_3d, table_p)

# --- scband reference (transcript-rebuilt; emitter-appended) ---
"""Pipeline reference for scband-fourier-features-35777077576510 (READ-ONLY COPY).

The authoritative reference and input builder live on the scoring server;
editing this copy changes nothing except your own understanding.
"""

import jax, jax.numpy as jnp
import numpy as np

K = 32
BETA = 10000.0
LIMIT = 8192


def _build_table():
    k_values = jnp.arange(K, dtype=jnp.float32)
    omega = BETA ** (-2.0 * k_values / (2.0 * K))
    cached_indices = jnp.arange(LIMIT, dtype=jnp.float32)
    omega_i = cached_indices[:, None] * omega
    sin_features = jnp.sin(omega_i)
    cos_features = jnp.cos(omega_i)
    table = jnp.stack([sin_features, cos_features], axis=-1).reshape(LIMIT, 2 * K)
    return table


def setup_inputs(seed: int = 0) -> dict:
    key = jax.random.key(seed)
    indices = jax.random.randint(key, (16384, 200), 0, LIMIT, dtype=jnp.int64 if jax.config.read('jax_enable_x64') else jnp.int32)
    table = _build_table()
    return {"indices": indices, "table": table}


def reference(indices, table):
    # Faithful translation: precomputed sin/cos feature table lookup
    idx_long = indices.astype(jnp.int32)
    return jnp.take(table, idx_long, axis=0)

if __name__ == "__main__":
    import jax
    _d = setup_inputs()
    print(jax.jit(kernel)(*tuple(_d.values())))

</pallas_src>

<mosaic_0001>
#map = affine_map<(d0, d1) -> (0, 0, 0)>
#map1 = affine_map<(d0, d1) -> (0, 0)>
module attributes {stable_mosaic.version = 14 : i64} {
  func.func @k(%arg0: i32, %arg1: i32, %arg2: memref<16384x8x128xi32, #tpu.memory_space<hbm>>, %arg3: memref<8192x128xf32, #tpu.memory_space<hbm>>, %arg4: memref<16384x200x64xf32, #tpu.memory_space<hbm>>, %arg5: memref<2x8x128xi32, #tpu.memory_space<vmem>>, %arg6: memref<2x256x128xf32, #tpu.memory_space<vmem>>, %arg7: memref<2x1x200x64xf32, #tpu.memory_space<vmem>>, %arg8: memref<2x!tpu.dma_semaphore, #tpu.memory_space<semaphore_mem>>, %arg9: memref<2x!tpu.dma_semaphore, #tpu.memory_space<semaphore_mem>>, %arg10: memref<2x!tpu.dma_semaphore, #tpu.memory_space<semaphore_mem>>) attributes {dimension_semantics = [#tpu.dimension_semantics<core_parallel>, #tpu.dimension_semantics<subcore_parallel>], iteration_bounds = array<i64: 2, 16>, scalar_prefetch = 0 : i64, scratch_operands = 6 : i64, tpu.core_type = #tpu.core_type<sc_vector_subcore>, window_params = [{transform_indices = #map}, {transform_indices = #map1}, {transform_indices = #map}]} {
    %mul3A = arith.constant 2 : i32
    %mul3A_0 = arith.muli %arg1, %mul3A : i32
    %add3A = arith.addi %mul3A_0, %arg0 : i32
    %mul3A_1 = arith.constant 512 : i32
    %mul3A_2 = arith.muli %add3A, %mul3A_1 : i32
    %min3A = arith.constant 0 : i32
    %min3A_3 = arith.constant 511 : i32
    %min3A_4 = arith.minsi %min3A, %min3A_3 : i32
    %add3A_5 = arith.addi %mul3A_2, %min3A_4 : i32
    %dma_start3A = arith.constant 0 : i32
    %dma_start3A_6 = arith.constant 0 : i32
    %dma_start3A_7 = arith.constant 0 : i32
    %dma_start3A_8 = arith.constant 0 : i32
    %dma_start3A_9 = tpu.memref_slice %arg5[%dma_start3A, %dma_start3A_7, %dma_start3A_8] : memref<2x8x128xi32, #tpu.memory_space<vmem>> -> memref<1x8x128xi32, #tpu.memory_space<vmem>>
    %dma_start3A_10 = tpu.memref_squeeze %dma_start3A_9 : memref<1x8x128xi32, #tpu.memory_space<vmem>> -> memref<8x128xi32, #tpu.memory_space<vmem>>
    %dma_start3A_11 = arith.constant 0 : i32
    %dma_start3A_12 = arith.constant 0 : i32
    %dma_start3A_13 = tpu.memref_slice %arg2[%add3A_5, %dma_start3A_11, %dma_start3A_12] : memref<16384x8x128xi32, #tpu.memory_space<hbm>> -> memref<1x8x128xi32, #tpu.memory_space<hbm>>
    %dma_start3A_14 = tpu.memref_squeeze %dma_start3A_13 : memref<1x8x128xi32, #tpu.memory_space<hbm>> -> memref<8x128xi32, #tpu.memory_space<hbm>>
    %dma_start3A_15 = tpu.memref_slice %arg8[%dma_start3A_6] : memref<2x!tpu.dma_semaphore, #tpu.memory_space<semaphore_mem>> -> memref<1x!tpu.dma_semaphore, #tpu.memory_space<semaphore_mem>>
    %dma_start3A_16 = tpu.memref_squeeze %dma_start3A_15 : memref<1x!tpu.dma_semaphore, #tpu.memory_space<semaphore_mem>> -> memref<!tpu.dma_semaphore, #tpu.memory_space<semaphore_mem>>
    %dma_start3A_17 = arith.constant 0 : i32
    %dma_start3A_18 = arith.constant 0 : i32
    %dma_start3A_19 = tpu.memref_slice %arg5[%dma_start3A, %dma_start3A_17, %dma_start3A_18] : memref<2x8x128xi32, #tpu.memory_space<vmem>> -> memref<1x8x128xi32, #tpu.memory_space<vmem>>
    %dma_start3A_20 = tpu.memref_squeeze %dma_start3A_19 : memref<1x8x128xi32, #tpu.memory_space<vmem>> -> memref<8x128xi32, #tpu.memory_space<vmem>>
    %dma_start3A_21 = arith.constant 0 : i32
    %dma_start3A_22 = arith.constant 0 : i32
    %dma_start3A_23 = tpu.memref_slice %arg2[%add3A_5, %dma_start3A_21, %dma_start3A_22] : memref<16384x8x128xi32, #tpu.memory_space<hbm>> -> memref<1x8x128xi32, #tpu.memory_space<hbm>>
    %dma_start3A_24 = tpu.memref_squeeze %dma_start3A_23 : memref<1x8x128xi32, #tpu.memory_space<hbm>> -> memref<8x128xi32, #tpu.memory_space<hbm>>
    tpu.enqueue_dma source(%dma_start3A_24 : memref<8x128xi32, #tpu.memory_space<hbm>>) target(%dma_start3A_20 : memref<8x128xi32, #tpu.memory_space<vmem>>) target_semaphore(%dma_start3A_16 : memref<!tpu.dma_semaphore, #tpu.memory_space<semaphore_mem>>)
    %min3A_25 = arith.constant 1 : i32
    %min3A_26 = arith.constant 511 : i32
    %min3A_27 = arith.minsi %min3A_25, %min3A_26 : i32
    %add3A_28 = arith.addi %mul3A_2, %min3A_27 : i32
    %dma_start3A_29 = arith.constant 1 : i32
    %dma_start3A_30 = arith.constant 1 : i32
    %dma_start3A_31 = arith.constant 0 : i32
    %dma_start3A_32 = arith.constant 0 : i32
    %dma_start3A_33 = tpu.memref_slice %arg5[%dma_start3A_29, %dma_start3A_31, %dma_start3A_32] : memref<2x8x128xi32, #tpu.memory_space<vmem>> -> memref<1x8x128xi32, #tpu.memory_space<vmem>>
    %dma_start3A_34 = tpu.memref_squeeze %dma_start3A_33 : memref<1x8x128xi32, #tpu.memory_space<vmem>> -> memref<8x128xi32, #tpu.memory_space<vmem>>
    %dma_start3A_35 = arith.constant 0 : i32
    %dma_start3A_36 = arith.constant 0 : i32
    %dma_start3A_37 = tpu.memref_slice %arg2[%add3A_28, %dma_start3A_35, %dma_start3A_36] : memref<16384x8x128xi32, #tpu.memory_space<hbm>> -> memref<1x8x128xi32, #tpu.memory_space<hbm>>
    %dma_start3A_38 = tpu.memref_squeeze %dma_start3A_37 : memref<1x8x128xi32, #tpu.memory_space<hbm>> -> memref<8x128xi32, #tpu.memory_space<hbm>>
    %dma_start3A_39 = tpu.memref_slice %arg8[%dma_start3A_30] : memref<2x!tpu.dma_semaphore, #tpu.memory_space<semaphore_mem>> -> memref<1x!tpu.dma_semaphore, #tpu.memory_space<semaphore_mem>>
    %dma_start3A_40 = tpu.memref_squeeze %dma_start3A_39 : memref<1x!tpu.dma_semaphore, #tpu.memory_space<semaphore_mem>> -> memref<!tpu.dma_semaphore, #tpu.memory_space<semaphore_mem>>
    %dma_start3A_41 = arith.constant 0 : i32
    %dma_start3A_42 = arith.constant 0 : i32
    %dma_start3A_43 = tpu.memref_slice %arg5[%dma_start3A_29, %dma_start3A_41, %dma_start3A_42] : memref<2x8x128xi32, #tpu.memory_space<vmem>> -> memref<1x8x128xi32, #tpu.memory_space<vmem>>
    %dma_start3A_44 = tpu.memref_squeeze %dma_start3A_43 : memref<1x8x128xi32, #tpu.memory_space<vmem>> -> memref<8x128xi32, #tpu.memory_space<vmem>>
    %dma_start3A_45 = arith.constant 0 : i32
    %dma_start3A_46 = arith.constant 0 : i32
    %dma_start3A_47 = tpu.memref_slice %arg2[%add3A_28, %dma_start3A_45, %dma_start3A_46] : memref<16384x8x128xi32, #tpu.memory_space<hbm>> -> memref<1x8x128xi32, #tpu.memory_space<hbm>>
    %dma_start3A_48 = tpu.memref_squeeze %dma_start3A_47 : memref<1x8x128xi32, #tpu.memory_space<hbm>> -> memref<8x128xi32, #tpu.memory_space<hbm>>
    tpu.enqueue_dma source(%dma_start3A_48 : memref<8x128xi32, #tpu.memory_space<hbm>>) target(%dma_start3A_44 : memref<8x128xi32, #tpu.memory_space<vmem>>) target_semaphore(%dma_start3A_40 : memref<!tpu.dma_semaphore, #tpu.memory_space<semaphore_mem>>)
    %min3A_49 = arith.constant 0 : i32
    %min3A_50 = arith.constant 511 : i32
    %min3A_51 = arith.minsi %min3A_49, %min3A_50 : i32
    %add3A_52 = arith.addi %mul3A_2, %min3A_51 : i32
    %dma_wait3A = arith.constant 0 : i32
    %dma_wait3A_53 = arith.constant 0 : i32
    %dma_wait3A_54 = arith.constant 0 : i32
    %dma_wait3A_55 = arith.constant 0 : i32
    %dma_wait3A_56 = tpu.memref_slice %arg5[%dma_wait3A, %dma_wait3A_54, %dma_wait3A_55] : memref<2x8x128xi32, #tpu.memory_space<vmem>> -> memref<1x8x128xi32, #tpu.memory_space<vmem>>
    %dma_wait3A_57 = tpu.memref_squeeze %dma_wait3A_56 : memref<1x8x128xi32, #tpu.memory_space<vmem>> -> memref<8x128xi32, #tpu.memory_space<vmem>>
    %dma_wait3A_58 = arith.constant 0 : i32
    %dma_wait3A_59 = arith.constant 0 : i32
    %dma_wait3A_60 = tpu.memref_slice %arg2[%add3A_52, %dma_wait3A_58, %dma_wait3A_59] : memref<16384x8x128xi32, #tpu.memory_space<hbm>> -> memref<1x8x128xi32, #tpu.memory_space<hbm>>
    %dma_wait3A_61 = tpu.memref_squeeze %dma_wait3A_60 : memref<1x8x128xi32, #tpu.memory_space<hbm>> -> memref<8x128xi32, #tpu.memory_space<hbm>>
    %dma_wait3A_62 = tpu.memref_slice %arg8[%dma_wait3A_53] : memref<2x!tpu.dma_semaphore, #tpu.memory_space<semaphore_mem>> -> memref<1x!tpu.dma_semaphore, #tpu.memory_space<semaphore_mem>>
    %dma_wait3A_63 = tpu.memref_squeeze %dma_wait3A_62 : memref<1x!tpu.dma_semaphore, #tpu.memory_space<semaphore_mem>> -> memref<!tpu.dma_semaphore, #tpu.memory_space<semaphore_mem>>
    %dma_wait3A_64 = arith.constant 0 : i32
    %dma_wait3A_65 = arith.constant 0 : i32
    %dma_wait3A_66 = tpu.memref_slice %arg5[%dma_wait3A, %dma_wait3A_64, %dma_wait3A_65] : memref<2x8x128xi32, #tpu.memory_space<vmem>> -> memref<1x8x128xi32, #tpu.memory_space<vmem>>
    %dma_wait3A_67 = tpu.memref_squeeze %dma_wait3A_66 : memref<1x8x128xi32, #tpu.memory_space<vmem>> -> memref<8x128xi32, #tpu.memory_space<vmem>>
    %dma_wait3A_68 = arith.constant 0 : i32
    %dma_wait3A_69 = arith.constant 0 : i32
    %dma_wait3A_70 = tpu.memref_slice %arg2[%add3A_52, %dma_wait3A_68, %dma_wait3A_69] : memref<16384x8x128xi32, #tpu.memory_space<hbm>> -> memref<1x8x128xi32, #tpu.memory_space<hbm>>
    %dma_wait3A_71 = tpu.memref_squeeze %dma_wait3A_70 : memref<1x8x128xi32, #tpu.memory_space<hbm>> -> memref<8x128xi32, #tpu.memory_space<hbm>>
    tpu.wait_dma2 semaphore(%dma_wait3A_63 : memref<!tpu.dma_semaphore, #tpu.memory_space<semaphore_mem>>) src(%dma_wait3A_71 : memref<8x128xi32, #tpu.memory_space<hbm>>) dst(%dma_wait3A_67 : memref<8x128xi32, #tpu.memory_space<vmem>>)
    %dma_start3A_72 = arith.constant 0 : i32
    %dma_start3A_73 = arith.constant 0 : i32
    %dma_start3A_74 = arith.constant 0 : i32
    %dma_start3A_75 = arith.constant 0 : i32
    %dma_start3A_76 = arith.constant 0 : i32
    %dma_start3A_77 = arith.constant 0 : i32
    %dma_start3A_78 = tpu.memref_slice %arg6[%dma_start3A_74, %dma_start3A_76, %dma_start3A_77] : memref<2x256x128xf32, #tpu.memory_space<vmem>> -> memref<1x128x128xf32, #tpu.memory_space<vmem>>
    %dma_start3A_79 = tpu.memref_squeeze %dma_start3A_78 : memref<1x128x128xf32, #tpu.memory_space<vmem>> -> memref<128x128xf32, #tpu.memory_space<vmem>>
    %dma_start3A_80 = arith.constant 0 : i32
    %dma_start3A_81 = tpu.memref_slice %arg5[%dma_start3A_72, %dma_start3A_73, %dma_start3A_80] : memref<2x8x128xi32, #tpu.memory_space<vmem>> -> memref<1x1x128xi32, #tpu.memory_space<vmem>>
    %dma_start3A_82 = tpu.memref_squeeze %dma_start3A_81 : memref<1x1x128xi32, #tpu.memory_space<vmem>> -> memref<128xi32, #tpu.memory_space<vmem>>
    %dma_start3A_83 = arith.constant 0 : i32
    %dma_start3A_84 = arith.constant 0 : i32
    %dma_start3A_85 = tpu.memref_slice %arg3[%dma_start3A_83, %dma_start3A_84] : memref<8192x128xf32, #tpu.memory_space<hbm>> -> memref<8192x128xf32, #tpu.memory_space<hbm>>
    %dma_start3A_86 = tpu.memref_slice %arg9[%dma_start3A_75] : memref<2x!tpu.dma_semaphore, #tpu.memory_space<semaphore_mem>> -> memref<1x!tpu.dma_semaphore, #tpu.memory_space<semaphore_mem>>
    %dma_start3A_87 = tpu.memref_squeeze %dma_start3A_86 : memref<1x!tpu.dma_semaphore, #tpu.memory_space<semaphore_mem>> -> memref<!tpu.dma_semaphore, #tpu.memory_space<semaphore_mem>>
    tpu.enqueue_indirect_dma source(%dma_start3A_85 : memref<8192x128xf32, #tpu.memory_space<hbm>>) target(%dma_start3A_79 : memref<128x128xf32, #tpu.memory_space<vmem>>) offsets(%dma_start3A_82 : memref<128xi32, #tpu.memory_space<vmem>>) semaphore(%dma_start3A_87 : memref<!tpu.dma_semaphore, #tpu.memory_space<semaphore_mem>>)
    %dma_start3A_88 = arith.constant 0 : i32
    %dma_start3A_89 = arith.constant 1 : i32
    %dma_start3A_90 = arith.constant 0 : i32
    %dma_start3A_91 = arith.constant 0 : i32
    %dma_start3A_92 = arith.constant 128 : i32
    %dma_start3A_93 = arith.constant 0 : i32
    %dma_start3A_94 = tpu.memref_slice %arg6[%dma_start3A_90, %dma_start3A_92, %dma_start3A_93] : memref<2x256x128xf32, #tpu.memory_space<vmem>> -> memref<1x128x128xf32, #tpu.memory_space<vmem>>
    %dma_start3A_95 = tpu.memref_squeeze %dma_start3A_94 : memref<1x128x128xf32, #tpu.memory_space<vmem>> -> memref<128x128xf32, #tpu.memory_space<vmem>>
    %dma_start3A_96 = arith.constant 0 : i32
    %dma_start3A_97 = tpu.memref_slice %arg5[%dma_start3A_88, %dma_start3A_89, %dma_start3A_96] : memref<2x8x128xi32, #tpu.memory_space<vmem>> -> memref<1x1x128xi32, #tpu.memory_space<vmem>>
    %dma_start3A_98 = tpu.memref_squeeze %dma_start3A_97 : memref<1x1x128xi32, #tpu.memory_space<vmem>> -> memref<128xi32, #tpu.memory_space<vmem>>
    %dma_start3A_99 = arith.constant 0 : i32
    %dma_start3A_100 = arith.constant 0 : i32
    %dma_start3A_101 = tpu.memref_slice %arg3[%dma_start3A_99, %dma_start3A_100] : memref<8192x128xf32, #tpu.memory_space<hbm>> -> memref<8192x128xf32, #tpu.memory_space<hbm>>
    %dma_start3A_102 = tpu.memref_slice %arg9[%dma_start3A_91] : memref<2x!tpu.dma_semaphore, #tpu.memory_space<semaphore_mem>> -> memref<1x!tpu.dma_semaphore, #tpu.memory_space<semaphore_mem>>
    %dma_start3A_103 = tpu.memref_squeeze %dma_start3A_102 : memref<1x!tpu.dma_semaphore, #tpu.memory_space<semaphore_mem>> -> memref<!tpu.dma_semaphore, #tpu.memory_space<semaphore_mem>>
    tpu.enqueue_indirect_dma source(%dma_start3A_101 : memref<8192x128xf32, #tpu.memory_space<hbm>>) target(%dma_start3A_95 : memref<128x128xf32, #tpu.memory_space<vmem>>) offsets(%dma_start3A_98 : memref<128xi32, #tpu.memory_space<vmem>>) semaphore(%dma_start3A_103 : memref<!tpu.dma_semaphore, #tpu.memory_space<semaphore_mem>>)
    %scan3A = arith.constant 0 : i32
    %scan3A_104 = arith.constant 0 : i32
    %scan3A_105 = arith.constant 256 : i32
    %scan3A_106 = arith.addi %scan3A_104, %scan3A_105 : i32
    %scan3A_107 = arith.constant 1 : i32
    scf.for %scan3A_205 = %scan3A_104 to %scan3A_106 step %scan3A_107  : i32 {
      %mul3A_206 = arith.constant 2 : i32
      %mul3A_207 = arith.muli %scan3A_205, %mul3A_206 : i32
      %add3A_208 = arith.constant 0 : i32
      %add3A_209 = arith.addi %mul3A_207, %add3A_208 : i32
      %dma_wait3A_210 = arith.constant 0 : i32
      %dma_wait3A_211 = arith.constant 0 : i32
      %dma_wait3A_212 = arith.constant 0 : i32
      %dma_wait3A_213 = arith.constant 0 : i32
      %dma_wait3A_214 = arith.constant 0 : i32
      %dma_wait3A_215 = arith.constant 0 : i32
      %dma_wait3A_216 = tpu.memref_slice %arg6[%dma_wait3A_212, %dma_wait3A_214, %dma_wait3A_215] : memref<2x256x128xf32, #tpu.memory_space<vmem>> -> memref<1x128x128xf32, #tpu.memory_space<vmem>>
      %dma_wait3A_217 = tpu.memref_squeeze %dma_wait3A_216 : memref<1x128x128xf32, #tpu.memory_space<vmem>> -> memref<128x128xf32, #tpu.memory_space<vmem>>
      %dma_wait3A_218 = arith.constant 0 : i32
      %dma_wait3A_219 = tpu.memref_slice %arg5[%dma_wait3A_210, %dma_wait3A_211, %dma_wait3A_218] : memref<2x8x128xi32, #tpu.memory_space<vmem>> -> memref<1x1x128xi32, #tpu.memory_space<vmem>>
      %dma_wait3A_220 = tpu.memref_squeeze %dma_wait3A_219 : memref<1x1x128xi32, #tpu.memory_space<vmem>> -> memref<128xi32, #tpu.memory_space<vmem>>
      %dma_wait3A_221 = arith.constant 0 : i32
      %dma_wait3A_222 = arith.constant 0 : i32
      %dma_wait3A_223 = tpu.memref_slice %arg3[%dma_wait3A_221, %dma_wait3A_222] : memref<8192x128xf32, #tpu.memory_space<hbm>> -> memref<8192x128xf32, #tpu.memory_space<hbm>>
      %dma_wait3A_224 = tpu.memref_slice %arg9[%dma_wait3A_213] : memref<2x!tpu.dma_semaphore, #tpu.memory_space<semaphore_mem>> -> memref<1x!tpu.dma_semaphore, #tpu.memory_space<semaphore_mem>>
      %dma_wait3A_225 = tpu.memref_squeeze %dma_wait3A_224 : memref<1x!tpu.dma_semaphore, #tpu.memory_space<semaphore_mem>> -> memref<!tpu.dma_semaphore, #tpu.memory_space<semaphore_mem>>
      tpu.wait_indirect_dma semaphore(%dma_wait3A_225 : memref<!tpu.dma_semaphore, #tpu.memory_space<semaphore_mem>>) src(%dma_wait3A_223 : memref<8192x128xf32, #tpu.memory_space<hbm>>) dst(%dma_wait3A_217 : memref<128x128xf32, #tpu.memory_space<vmem>>)
      %dma_wait3A_226 = arith.constant 0 : i32
      %dma_wait3A_227 = arith.constant 1 : i32
      %dma_wait3A_228 = arith.constant 0 : i32
      %dma_wait3A_229 = arith.constant 0 : i32
      %dma_wait3A_230 = arith.constant 128 : i32
      %dma_wait3A_231 = arith.constant 0 : i32
      %dma_wait3A_232 = tpu.memref_slice %arg6[%dma_wait3A_228, %dma_wait3A_230, %dma_wait3A_231] : memref<2x256x128xf32, #tpu.memory_space<vmem>> -> memref<1x128x128xf32, #tpu.memory_space<vmem>>
      %dma_wait3A_233 = tpu.memref_squeeze %dma_wait3A_232 : memref<1x128x128xf32, #tpu.memory_space<vmem>> -> memref<128x128xf32, #tpu.memory_space<vmem>>
      %dma_wait3A_234 = arith.constant 0 : i32
      %dma_wait3A_235 = tpu.memref_slice %arg5[%dma_wait3A_226, %dma_wait3A_227, %dma_wait3A_234] : memref<2x8x128xi32, #tpu.memory_space<vmem>> -> memref<1x1x128xi32, #tpu.memory_space<vmem>>
      %dma_wait3A_236 = tpu.memref_squeeze %dma_wait3A_235 : memref<1x1x128xi32, #tpu.memory_space<vmem>> -> memref<128xi32, #tpu.memory_space<vmem>>
      %dma_wait3A_237 = arith.constant 0 : i32
      %dma_wait3A_238 = arith.constant 0 : i32
      %dma_wait3A_239 = tpu.memref_slice %arg3[%dma_wait3A_237, %dma_wait3A_238] : memref<8192x128xf32, #tpu.memory_space<hbm>> -> memref<8192x128xf32, #tpu.memory_space<hbm>>
      %dma_wait3A_240 = tpu.memref_slice %arg9[%dma_wait3A_229] : memref<2x!tpu.dma_semaphore, #tpu.memory_space<semaphore_mem>> -> memref<1x!tpu.dma_semaphore, #tpu.memory_space<semaphore_mem>>
      %dma_wait3A_241 = tpu.memref_squeeze %dma_wait3A_240 : memref<1x!tpu.dma_semaphore, #tpu.memory_space<semaphore_mem>> -> memref<!tpu.dma_semaphore, #tpu.memory_space<semaphore_mem>>
      tpu.wait_indirect_dma semaphore(%dma_wait3A_241 : memref<!tpu.dma_semaphore, #tpu.memory_space<semaphore_mem>>) src(%dma_wait3A_239 : memref<8192x128xf32, #tpu.memory_space<hbm>>) dst(%dma_wait3A_233 : memref<128x128xf32, #tpu.memory_space<vmem>>)
      %add3A_242 = arith.constant 2 : i32
      %add3A_243 = arith.addi %add3A_209, %add3A_242 : i32
      %min3A_244 = arith.constant 511 : i32
      %min3A_245 = arith.minsi %add3A_243, %min3A_244 : i32
      %add3A_246 = arith.addi %mul3A_2, %min3A_245 : i32
      %dma_start3A_247 = arith.constant 0 : i32
      %dma_start3A_248 = arith.constant 0 : i32
      %dma_start3A_249 = arith.constant 0 : i32
      %dma_start3A_250 = arith.constant 0 : i32
      %dma_start3A_251 = tpu.memref_slice %arg5[%dma_start3A_247, %dma_start3A_249, %dma_start3A_250] : memref<2x8x128xi32, #tpu.memory_space<vmem>> -> memref<1x8x128xi32, #tpu.memory_space<vmem>>
      %dma_start3A_252 = tpu.memref_squeeze %dma_start3A_251 : memref<1x8x128xi32, #tpu.memory_space<vmem>> -> memref<8x128xi32, #tpu.memory_space<vmem>>
      %dma_start3A_253 = arith.constant 0 : i32
      %dma_start3A_254 = arith.constant 0 : i32
      %dma_start3A_255 = tpu.memref_slice %arg2[%add3A_246, %dma_start3A_253, %dma_start3A_254] : memref<16384x8x128xi32, #tpu.memory_space<hbm>> -> memref<1x8x128xi32, #tpu.memory_space<hbm>>
      %dma_start3A_256 = tpu.memref_squeeze %dma_start3A_255 : memref<1x8x128xi32, #tpu.memory_space<hbm>> -> memref<8x128xi32, #tpu.memory_space<hbm>>
      %dma_start3A_257 = tpu.memref_slice %arg8[%dma_start3A_248] : memref<2x!tpu.dma_semaphore, #tpu.memory_space<semaphore_mem>> -> memref<1x!tpu.dma_semaphore, #tpu.memory_space<semaphore_mem>>
      %dma_start3A_258 = tpu.memref_squeeze %dma_start3A_257 : memref<1x!tpu.dma_semaphore, #tpu.memory_space<semaphore_mem>> -> memref<!tpu.dma_semaphore, #tpu.memory_space<semaphore_mem>>
      %dma_start3A_259 = arith.constant 0 : i32
      %dma_start3A_260 = arith.constant 0 : i32
      %dma_start3A_261 = tpu.memref_slice %arg5[%dma_start3A_247, %dma_start3A_259, %dma_start3A_260] : memref<2x8x128xi32, #tpu.memory_space<vmem>> -> memref<1x8x128xi32, #tpu.memory_space<vmem>>
      %dma_start3A_262 = tpu.memref_squeeze %dma_start3A_261 : memref<1x8x128xi32, #tpu.memory_space<vmem>> -> memref<8x128xi32, #tpu.memory_space<vmem>>
      %dma_start3A_263 = arith.constant 0 : i32
      %dma_start3A_264 = arith.constant 0 : i32
      %dma_start3A_265 = tpu.memref_slice %arg2[%add3A_246, %dma_start3A_263, %dma_start3A_264] : memref<16384x8x128xi32, #tpu.memory_space<hbm>> -> memref<1x8x128xi32, #tpu.memory_space<hbm>>
      %dma_start3A_266 = tpu.memref_squeeze %dma_start3A_265 : memref<1x8x128xi32, #tpu.memory_space<hbm>> -> memref<8x128xi32, #tpu.memory_space<hbm>>
      tpu.enqueue_dma source(%dma_start3A_266 : memref<8x128xi32, #tpu.memory_space<hbm>>) target(%dma_start3A_262 : memref<8x128xi32, #tpu.memory_space<vmem>>) target_semaphore(%dma_start3A_258 : memref<!tpu.dma_semaphore, #tpu.memory_space<semaphore_mem>>)
      %add3A_267 = arith.constant 1 : i32
      %add3A_268 = arith.addi %add3A_209, %add3A_267 : i32
      %min3A_269 = arith.constant 511 : i32
      %min3A_270 = arith.minsi %add3A_268, %min3A_269 : i32
      %add3A_271 = arith.addi %mul3A_2, %min3A_270 : i32
      %dma_wait3A_272 = arith.constant 1 : i32
      %dma_wait3A_273 = arith.constant 1 : i32
      %dma_wait3A_274 = arith.constant 0 : i32
      %dma_wait3A_275 = arith.constant 0 : i32
      %dma_wait3A_276 = tpu.memref_slice %arg5[%dma_wait3A_272, %dma_wait3A_274, %dma_wait3A_275] : memref<2x8x128xi32, #tpu.memory_space<vmem>> -> memref<1x8x128xi32, #tpu.memory_space<vmem>>
      %dma_wait3A_277 = tpu.memref_squeeze %dma_wait3A_276 : memref<1x8x128xi32, #tpu.memory_space<vmem>> -> memref<8x128xi32, #tpu.memory_space<vmem>>
      %dma_wait3A_278 = arith.constant 0 : i32
      %dma_wait3A_279 = arith.constant 0 : i32
      %dma_wait3A_280 = tpu.memref_slice %arg2[%add3A_271, %dma_wait3A_278, %dma_wait3A_279] : memref<16384x8x128xi32, #tpu.memory_space<hbm>> -> memref<1x8x128xi32, #tpu.memory_space<hbm>>
      %dma_wait3A_281 = tpu.memref_squeeze %dma_wait3A_280 : memref<1x8x128xi32, #tpu.memory_space<hbm>> -> memref<8x128xi32, #tpu.memory_space<hbm>>
      %dma_wait3A_282 = tpu.memref_slice %arg8[%dma_wait3A_273] : memref<2x!tpu.dma_semaphore, #tpu.memory_space<semaphore_mem>> -> memref<1x!tpu.dma_semaphore, #tpu.memory_space<semaphore_mem>>
      %dma_wait3A_283 = tpu.memref_squeeze %dma_wait3A_282 : memref<1x!tpu.dma_semaphore, #tpu.memory_space<semaphore_mem>> -> memref<!tpu.dma_semaphore, #tpu.memory_space<semaphore_mem>>
      %dma_wait3A_284 = arith.constant 0 : i32
      %dma_wait3A_285 = arith.constant 0 : i32
      %dma_wait3A_286 = tpu.memref_slice %arg5[%dma_wait3A_272, %dma_wait3A_284, %dma_wait3A_285] : memref<2x8x128xi32, #tpu.memory_space<vmem>> -> memref<1x8x128xi32, #tpu.memory_space<vmem>>
      %dma_wait3A_287 = tpu.memref_squeeze %dma_wait3A_286 : memref<1x8x128xi32, #tpu.memory_space<vmem>> -> memref<8x128xi32, #tpu.memory_space<vmem>>
      %dma_wait3A_288 = arith.constant 0 : i32
      %dma_wait3A_289 = arith.constant 0 : i32
      %dma_wait3A_290 = tpu.memref_slice %arg2[%add3A_271, %dma_wait3A_288, %dma_wait3A_289] : memref<16384x8x128xi32, #tpu.memory_space<hbm>> -> memref<1x8x128xi32, #tpu.memory_space<hbm>>
      %dma_wait3A_291 = tpu.memref_squeeze %dma_wait3A_290 : memref<1x8x128xi32, #tpu.memory_space<hbm>> -> memref<8x128xi32, #tpu.memory_space<hbm>>
      tpu.wait_dma2 semaphore(%dma_wait3A_283 : memref<!tpu.dma_semaphore, #tpu.memory_space<semaphore_mem>>) src(%dma_wait3A_291 : memref<8x128xi32, #tpu.memory_space<hbm>>) dst(%dma_wait3A_287 : memref<8x128xi32, #tpu.memory_space<vmem>>)
      %dma_start3A_292 = arith.constant 1 : i32
      %dma_start3A_293 = arith.constant 0 : i32
      %dma_start3A_294 = arith.constant 1 : i32
      %dma_start3A_295 = arith.constant 1 : i32
      %dma_start3A_296 = arith.constant 0 : i32
      %dma_start3A_297 = arith.constant 0 : i32
      %dma_start3A_298 = tpu.memref_slice %arg6[%dma_start3A_294, %dma_start3A_296, %dma_start3A_297] : memref<2x256x128xf32, #tpu.memory_space<vmem>> -> memref<1x128x128xf32, #tpu.memory_space<vmem>>
      %dma_start3A_299 = tpu.memref_squeeze %dma_start3A_298 : memref<1x128x128xf32, #tpu.memory_space<vmem>> -> memref<128x128xf32, #tpu.memory_space<vmem>>
      %dma_start3A_300 = arith.constant 0 : i32
      %dma_start3A_301 = tpu.memref_slice %arg5[%dma_start3A_292, %dma_start3A_293, %dma_start3A_300] : memref<2x8x128xi32, #tpu.memory_space<vmem>> -> memref<1x1x128xi32, #tpu.memory_space<vmem>>
      %dma_start3A_302 = tpu.memref_squeeze %dma_start3A_301 : memref<1x1x128xi32, #tpu.memory_space<vmem>> -> memref<128xi32, #tpu.memory_space<vmem>>
      %dma_start3A_303 = arith.constant 0 : i32
      %dma_start3A_304 = arith.constant 0 : i32
      %dma_start3A_305 = tpu.memref_slice %arg3[%dma_start3A_303, %dma_start3A_304] : memref<8192x128xf32, #tpu.memory_space<hbm>> -> memref<8192x128xf32, #tpu.memory_space<hbm>>
      %dma_start3A_306 = tpu.memref_slice %arg9[%dma_start3A_295] : memref<2x!tpu.dma_semaphore, #tpu.memory_space<semaphore_mem>> -> memref<1x!tpu.dma_semaphore, #tpu.memory_space<semaphore_mem>>
      %dma_start3A_307 = tpu.memref_squeeze %dma_start3A_306 : memref<1x!tpu.dma_semaphore, #tpu.memory_space<semaphore_mem>> -> memref<!tpu.dma_semaphore, #tpu.memory_space<semaphore_mem>>
      tpu.enqueue_indirect_dma source(%dma_start3A_305 : memref<8192x128xf32, #tpu.memory_space<hbm>>) target(%dma_start3A_299 : memref<128x128xf32, #tpu.memory_space<vmem>>) offsets(%dma_start3A_302 : memref<128xi32, #tpu.memory_space<vmem>>) semaphore(%dma_start3A_307 : memref<!tpu.dma_semaphore, #tpu.memory_space<semaphore_mem>>)
      %dma_start3A_308 = arith.constant 1 : i32
      %dma_start3A_309 = arith.constant 1 : i32
      %dma_start3A_310 = arith.constant 1 : i32
      %dma_start3A_311 = arith.constant 1 : i32
      %dma_start3A_312 = arith.constant 128 : i32
      %dma_start3A_313 = arith.constant 0 : i32
      %dma_start3A_314 = tpu.memref_slice %arg6[%dma_start3A_310, %dma_start3A_312, %dma_start3A_313] : memref<2x256x128xf32, #tpu.memory_space<vmem>> -> memref<1x128x128xf32, #tpu.memory_space<vmem>>
      %dma_start3A_315 = tpu.memref_squeeze %dma_start3A_314 : memref<1x128x128xf32, #tpu.memory_space<vmem>> -> memref<128x128xf32, #tpu.memory_space<vmem>>
      %dma_start3A_316 = arith.constant 0 : i32
      %dma_start3A_317 = tpu.memref_slice %arg5[%dma_start3A_308, %dma_start3A_309, %dma_start3A_316] : memref<2x8x128xi32, #tpu.memory_space<vmem>> -> memref<1x1x128xi32, #tpu.memory_space<vmem>>
      %dma_start3A_318 = tpu.memref_squeeze %dma_start3A_317 : memref<1x1x128xi32, #tpu.memory_space<vmem>> -> memref<128xi32, #tpu.memory_space<vmem>>
      %dma_start3A_319 = arith.constant 0 : i32
      %dma_start3A_320 = arith.constant 0 : i32
      %dma_start3A_321 = tpu.memref_slice %arg3[%dma_start3A_319, %dma_start3A_320] : memref<8192x128xf32, #tpu.memory_space<hbm>> -> memref<8192x128xf32, #tpu.memory_space<hbm>>
      %dma_start3A_322 = tpu.memref_slice %arg9[%dma_start3A_311] : memref<2x!tpu.dma_semaphore, #tpu.memory_space<semaphore_mem>> -> memref<1x!tpu.dma_semaphore, #tpu.memory_space<semaphore_mem>>
      %dma_start3A_323 = tpu.memref_squeeze %dma_start3A_322 : memref<1x!tpu.dma_semaphore, #tpu.memory_space<semaphore_mem>> -> memref<!tpu.dma_semaphore, #tpu.memory_space<semaphore_mem>>
      tpu.enqueue_indirect_dma source(%dma_start3A_321 : memref<8192x128xf32, #tpu.memory_space<hbm>>) target(%dma_start3A_315 : memref<128x128xf32, #tpu.memory_space<vmem>>) offsets(%dma_start3A_318 : memref<128xi32, #tpu.memory_space<vmem>>) semaphore(%dma_start3A_323 : memref<!tpu.dma_semaphore, #tpu.memory_space<semaphore_mem>>)
      %ge3A = arith.constant 1 : i32
      %ge3A_324 = arith.cmpi sge, %scan3A_205, %ge3A : i32
      %convert_element_type3A = arith.extui %ge3A_324 : i1 to i32
      %cond3A = arith.constant 0 : i32
      %cond3A_325 = arith.cmpi ne, %convert_element_type3A, %cond3A : i32
      scf.if %cond3A_325 {
        %dma_wait3A_503 = arith.constant 0 : i32
        %dma_wait3A_504 = arith.constant 0 : i32
        %dma_wait3A_505 = arith.constant 0 : i32
        %dma_wait3A_506 = arith.constant 0 : i32
        %dma_wait3A_507 = arith.constant 0 : i32
        %dma_wait3A_508 = tpu.memref_slice %arg7[%dma_wait3A_503, %dma_wait3A_505, %dma_wait3A_506, %dma_wait3A_507] : memref<2x1x200x64xf32, #tpu.memory_space<vmem>> -> memref<1x1x200x64xf32, #tpu.memory_space<vmem>>
        %dma_wait3A_509 = tpu.memref_squeeze %dma_wait3A_508 : memref<1x1x200x64xf32, #tpu.memory_space<vmem>> -> memref<1x200x64xf32, #tpu.memory_space<vmem>>
        %dma_wait3A_510 = arith.constant 0 : i32
        %dma_wait3A_511 = arith.constant 0 : i32
        %dma_wait3A_512 = tpu.memref_slice %arg4[%mul3A_2, %dma_wait3A_510, %dma_wait3A_511] : memref<16384x200x64xf32, #tpu.memory_space<hbm>> -> memref<1x200x64xf32, #tpu.memory_space<hbm>>
        %dma_wait3A_513 = tpu.memref_slice %arg10[%dma_wait3A_504] : memref<2x!tpu.dma_semaphore, #tpu.memory_space<semaphore_mem>> -> memref<1x!tpu.dma_semaphore, #tpu.memory_space<semaphore_mem>>
        %dma_wait3A_514 = tpu.memref_squeeze %dma_wait3A_513 : memref<1x!tpu.dma_semaphore, #tpu.memory_space<semaphore_mem>> -> memref<!tpu.dma_semaphore, #tpu.memory_space<semaphore_mem>>
        %dma_wait3A_515 = arith.constant 0 : i32
        %dma_wait3A_516 = arith.constant 0 : i32
        %dma_wait3A_517 = tpu.memref_slice %arg4[%mul3A_2, %dma_wait3A_515, %dma_wait3A_516] : memref<16384x200x64xf32, #tpu.memory_space<hbm>> -> memref<1x200x64xf32, #tpu.memory_space<hbm>>
        %dma_wait3A_518 = arith.constant 0 : i32
        %dma_wait3A_519 = arith.constant 0 : i32
        %dma_wait3A_520 = arith.constant 0 : i32
        %dma_wait3A_521 = tpu.memref_slice %arg7[%dma_wait3A_503, %dma_wait3A_518, %dma_wait3A_519, %dma_wait3A_520] : memref<2x1x200x64xf32, #tpu.memory_space<vmem>> -> memref<1x1x200x64xf32, #tpu.memory_space<vmem>>
        %dma_wait3A_522 = tpu.memref_squeeze %dma_wait3A_521 : memref<1x1x200x64xf32, #tpu.memory_space<vmem>> -> memref<1x200x64xf32, #tpu.memory_space<vmem>>
        tpu.wait_dma2 semaphore(%dma_wait3A_514 : memref<!tpu.dma_semaphore, #tpu.memory_space<semaphore_mem>>) src(%dma_wait3A_522 : memref<1x200x64xf32, #tpu.memory_space<vmem>>) dst(%dma_wait3A_517 : memref<1x200x64xf32, #tpu.memory_space<hbm>>)
      } else {
      }
      %scan3A_326 = arith.constant 0 : i32
      %scan3A_327 = arith.constant 0 : i32
      %scan3A_328 = arith.constant 50 : i32
      %scan3A_329 = arith.addi %scan3A_327, %scan3A_328 : i32
      %scan3A_330 = arith.constant 1 : i32
      scf.for %scan3A_503 = %scan3A_327 to %scan3A_329 step %scan3A_330  : i32 {
        %mul3A_504 = arith.constant 4 : i32
        %mul3A_505 = arith.muli %scan3A_503, %mul3A_504 : i32
        %add3A_506 = arith.constant 0 : i32
        %add3A_507 = arith.addi %mul3A_505, %add3A_506 : i32
        %get3A = arith.constant 0 : i32
        %get3A_508 = arith.constant 0 : i32
        %get3A_509 = arith.constant 0 : i32
        %get3A_510 = tpu.memref_slice %arg6[%get3A, %get3A_508, %get3A_509] : memref<2x256x128xf32, #tpu.memory_space<vmem>> -> memref<1x256x128xf32, #tpu.memory_space<vmem>>
        %get3A_511 = tpu.memref_squeeze %get3A_510 : memref<1x256x128xf32, #tpu.memory_space<vmem>> -> memref<256x128xf32, #tpu.memory_space<vmem>>
        %get3A_512 = arith.index_cast %add3A_507 : i32 to index
        %get3A_513 = arith.constant 0 : index
        %get3A_514 = tpu.vector_load %get3A_511[%get3A_512, %get3A_513] {strides = array<i32>} : memref<256x128xf32, #tpu.memory_space<vmem>>, vector<1x16xf32>,
        %get3A_515 = vector.shape_cast %get3A_514 : vector<1x16xf32> to vector<16xf32>
        %mul3A_516 = arith.constant 4 : i32
        %mul3A_517 = arith.muli %scan3A_503, %mul3A_516 : i32
        %add3A_518 = arith.constant 0 : i32
        %add3A_519 = arith.addi %mul3A_517, %add3A_518 : i32
        %swap3A = arith.constant 0 : i32
        %swap3A_520 = arith.constant 0 : i32
        %swap3A_521 = arith.constant 0 : i32
        %swap3A_522 = arith.constant 0 : i32
        %swap3A_523 = tpu.memref_slice %arg7[%swap3A, %swap3A_520, %swap3A_521, %swap3A_522] : memref<2x1x200x64xf32, #tpu.memory_space<vmem>> -> memref<1x1x200x64xf32, #tpu.memory_space<vmem>>
        %swap3A_524 = tpu.memref_squeeze %swap3A_523 : memref<1x1x200x64xf32, #tpu.memory_space<vmem>> -> memref<200x64xf32, #tpu.memory_space<vmem>>
        %swap3A_525 = arith.index_cast %add3A_519 : i32 to index
        %swap3A_526 = arith.constant 0 : index
        %swap3A_527 = tpu.vector_load %swap3A_524[%swap3A_525, %swap3A_526] {strides = array<i32>} : memref<200x64xf32, #tpu.memory_space<vmem>>, vector<1x16xf32>,
        %swap3A_528 = vector.shape_cast %swap3A_527 : vector<1x16xf32> to vector<16xf32>
        %swap3A_529 = vector.shape_cast %get3A_515 : vector<16xf32> to vector<1x16xf32>
        tpu.vector_store %swap3A_524[%swap3A_525, %swap3A_526], %swap3A_529 {strides = array<i32>} : memref<200x64xf32, #tpu.memory_space<vmem>>, vector<1x16xf32>,
        %mul3A_530 = arith.constant 4 : i32
        %mul3A_531 = arith.muli %scan3A_503, %mul3A_530 : i32
        %add3A_532 = arith.constant 0 : i32
        %add3A_533 = arith.addi %mul3A_531, %add3A_532 : i32
        %get3A_534 = arith.constant 0 : i32
        %get3A_535 = arith.constant 0 : i32
        %get3A_536 = arith.constant 0 : i32
        %get3A_537 = tpu.memref_slice %arg6[%get3A_534, %get3A_535, %get3A_536] : memref<2x256x128xf32, #tpu.memory_space<vmem>> -> memref<1x256x128xf32, #tpu.memory_space<vmem>>
        %get3A_538 = tpu.memref_squeeze %get3A_537 : memref<1x256x128xf32, #tpu.memory_space<vmem>> -> memref<256x128xf32, #tpu.memory_space<vmem>>
        %get3A_539 = arith.index_cast %add3A_533 : i32 to index
        %get3A_540 = arith.constant 16 : index
        %get3A_541 = tpu.vector_load %get3A_538[%get3A_539, %get3A_540] {strides = array<i32>} : memref<256x128xf32, #tpu.memory_space<vmem>>, vector<1x16xf32>,
        %get3A_542 = vector.shape_cast %get3A_541 : vector<1x16xf32> to vector<16xf32>
        %mul3A_543 = arith.constant 4 : i32
        %mul3A_544 = arith.muli %scan3A_503, %mul3A_543 : i32
        %add3A_545 = arith.constant 0 : i32
        %add3A_546 = arith.addi %mul3A_544, %add3A_545 : i32
        %swap3A_547 = arith.constant 0 : i32
        %swap3A_548 = arith.constant 0 : i32
        %swap3A_549 = arith.constant 0 : i32
        %swap3A_550 = arith.constant 0 : i32
        %swap3A_551 = tpu.memref_slice %arg7[%swap3A_547, %swap3A_548, %swap3A_549, %swap3A_550] : memref<2x1x200x64xf32, #tpu.memory_space<vmem>> -> memref<1x1x200x64xf32, #tpu.memory_space<vmem>>
        %swap3A_552 = tpu.memref_squeeze %swap3A_551 : memref<1x1x200x64xf32, #tpu.memory_space<vmem>> -> memref<200x64xf32, #tpu.memory_space<vmem>>
        %swap3A_553 = arith.index_cast %add3A_546 : i32 to index
        %swap3A_554 = arith.constant 16 : index
        %swap3A_555 = tpu.vector_load %swap3A_552[%swap3A_553, %swap3A_554] {strides = array<i32>} : memref<200x64xf32, #tpu.memory_space<vmem>>, vector<1x16xf32>,
        %swap3A_556 = vector.shape_cast %swap3A_555 : vector<1x16xf32> to vector<16xf32>
        %swap3A_557 = vector.shape_cast %get3A_542 : vector<16xf32> to vector<1x16xf32>
        tpu.vector_store %swap3A_552[%swap3A_553, %swap3A_554], %swap3A_557 {strides = array<i32>} : memref<200x64xf32, #tpu.memory_space<vmem>>, vector<1x16xf32>,
        %mul3A_558 = arith.constant 4 : i32
        %mul3A_559 = arith.muli %scan3A_503, %mul3A_558 : i32
        %add3A_560 = arith.constant 0 : i32
        %add3A_561 = arith.addi %mul3A_559, %add3A_560 : i32
        %get3A_562 = arith.constant 0 : i32
        %get3A_563 = arith.constant 0 : i32
        %get3A_564 = arith.constant 0 : i32
        %get3A_565 = tpu.memref_slice %arg6[%get3A_562, %get3A_563, %get3A_564] : memref<2x256x128xf32, #tpu.memory_space<vmem>> -> memref<1x256x128xf32, #tpu.memory_space<vmem>>
        %get3A_566 = tpu.memref_squeeze %get3A_565 : memref<1x256x128xf32, #tpu.memory_space<vmem>> -> memref<256x128xf32, #tpu.memory_space<vmem>>
        %get3A_567 = arith.index_cast %add3A_561 : i32 to index
        %get3A_568 = arith.constant 32 : index
        %get3A_569 = tpu.vector_load %get3A_566[%get3A_567, %get3A_568] {strides = array<i32>} : memref<256x128xf32, #tpu.memory_space<vmem>>, vector<1x16xf32>,
        %get3A_570 = vector.shape_cast %get3A_569 : vector<1x16xf32> to vector<16xf32>
        %mul3A_571 = arith.constant 4 : i32
        %mul3A_572 = arith.muli %scan3A_503, %mul3A_571 : i32
        %add3A_573 = arith.constant 0 : i32
        %add3A_574 = arith.addi %mul3A_572, %add3A_573 : i32
        %swap3A_575 = arith.constant 0 : i32
        %swap3A_576 = arith.constant 0 : i32
        %swap3A_577 = arith.constant 0 : i32
        %swap3A_578 = arith.constant 0 : i32
        %swap3A_579 = tpu.memref_slice %arg7[%swap3A_575, %swap3A_576, %swap3A_577, %swap3A_578] : memref<2x1x200x64xf32, #tpu.memory_space<vmem>> -> memref<1x1x200x64xf32, #tpu.memory_space<vmem>>
        %swap3A_580 = tpu.memref_squeeze %swap3A_579 : memref<1x1x200x64xf32, #tpu.memory_space<vmem>> -> memref<200x64xf32, #tpu.memory_space<vmem>>
        %swap3A_581 = arith.index_cast %add3A_574 : i32 to index
        %swap3A_582 = arith.constant 32 : index
        %swap3A_583 = tpu.vector_load %swap3A_580[%swap3A_581, %swap3A_582] {strides = array<i32>} : memref<200x64xf32, #tpu.memory_space<vmem>>, vector<1x16xf32>,
        %swap3A_584 = vector.shape_cast %swap3A_583 : vector<1x16xf32> to vector<16xf32>
        %swap3A_585 = vector.shape_cast %get3A_570 : vector<16xf32> to vector<1x16xf32>
        tpu.vector_store %swap3A_580[%swap3A_581, %swap3A_582], %swap3A_585 {strides = array<i32>} : memref<200x64xf32, #tpu.memory_space<vmem>>, vector<1x16xf32>,
        %mul3A_586 = arith.constant 4 : i32
        %mul3A_587 = arith.muli %scan3A_503, %mul3A_586 : i32
        %add3A_588 = arith.constant 0 : i32
        %add3A_589 = arith.addi %mul3A_587, %add3A_588 : i32
        %get3A_590 = arith.constant 0 : i32
        %get3A_591 = arith.constant 0 : i32
        %get3A_592 = arith.constant 0 : i32
        %get3A_593 = tpu.memref_slice %arg6[%get3A_590, %get3A_591, %get3A_592] : memref<2x256x128xf32, #tpu.memory_space<vmem>> -> memref<1x256x128xf32, #tpu.memory_space<vmem>>
        %get3A_594 = tpu.memref_squeeze %get3A_593 : memref<1x256x128xf32, #tpu.memory_space<vmem>> -> memref<256x128xf32, #tpu.memory_space<vmem>>
        %get3A_595 = arith.index_cast %add3A_589 : i32 to index
        %get3A_596 = arith.constant 48 : index
        %get3A_597 = tpu.vector_load %get3A_594[%get3A_595, %get3A_596] {strides = array<i32>} : memref<256x128xf32, #tpu.memory_space<vmem>>, vector<1x16xf32>,
        %get3A_598 = vector.shape_cast %get3A_597 : vector<1x16xf32> to vector<16xf32>
        %mul3A_599 = arith.constant 4 : i32
        %mul3A_600 = arith.muli %scan3A_503, %mul3A_599 : i32
        %add3A_601 = arith.constant 0 : i32
        %add3A_602 = arith.addi %mul3A_600, %add3A_601 : i32
        %swap3A_603 = arith.constant 0 : i32
        %swap3A_604 = arith.constant 0 : i32
        %swap3A_605 = arith.constant 0 : i32
        %swap3A_606 = arith.constant 0 : i32
        %swap3A_607 = tpu.memref_slice %arg7[%swap3A_603, %swap3A_604, %swap3A_605, %swap3A_606] : memref<2x1x200x64xf32, #tpu.memory_space<vmem>> -> memref<1x1x200x64xf32, #tpu.memory_space<vmem>>
        %swap3A_608 = tpu.memref_squeeze %swap3A_607 : memref<1x1x200x64xf32, #tpu.memory_space<vmem>> -> memref<200x64xf32, #tpu.memory_space<vmem>>
        %swap3A_609 = arith.index_cast %add3A_602 : i32 to index
        %swap3A_610 = arith.constant 48 : index
        %swap3A_611 = tpu.vector_load %swap3A_608[%swap3A_609, %swap3A_610] {strides = array<i32>} : memref<200x64xf32, #tpu.memory_space<vmem>>, vector<1x16xf32>,
        %swap3A_612 = vector.shape_cast %swap3A_611 : vector<1x16xf32> to vector<16xf32>
        %swap3A_613 = vector.shape_cast %get3A_598 : vector<16xf32> to vector<1x16xf32>
        tpu.vector_store %swap3A_608[%swap3A_609, %swap3A_610], %swap3A_613 {strides = array<i32>} : memref<200x64xf32, #tpu.memory_space<vmem>>, vector<1x16xf32>,
        %mul3A_614 = arith.constant 4 : i32
        %mul3A_615 = arith.muli %scan3A_503, %mul3A_614 : i32
        %add3A_616 = arith.constant 1 : i32
        %add3A_617 = arith.addi %mul3A_615, %add3A_616 : i32
        %get3A_618 = arith.constant 0 : i32
        %get3A_619 = arith.constant 0 : i32
        %get3A_620 = arith.constant 0 : i32
        %get3A_621 = tpu.memref_slice %arg6[%get3A_618, %get3A_619, %get3A_620] : memref<2x256x128xf32, #tpu.memory_space<vmem>> -> memref<1x256x128xf32, #tpu.memory_space<vmem>>
        %get3A_622 = tpu.memref_squeeze %get3A_621 : memref<1x256x128xf32, #tpu.memory_space<vmem>> -> memref<256x128xf32, #tpu.memory_space<vmem>>
        %get3A_623 = arith.index_cast %add3A_617 : i32 to index
        %get3A_624 = arith.constant 0 : index
        %get3A_625 = tpu.vector_load %get3A_622[%get3A_623, %get3A_624] {strides = array<i32>} : memref<256x128xf32, #tpu.memory_space<vmem>>, vector<1x16xf32>,
        %get3A_626 = vector.shape_cast %get3A_625 : vector<1x16xf32> to vector<16xf32>
        %mul3A_627 = arith.constant 4 : i32
        %mul3A_628 = arith.muli %scan3A_503, %mul3A_627 : i32
        %add3A_629 = arith.constant 1 : i32
        %add3A_630 = arith.addi %mul3A_628, %add3A_629 : i32
        %swap3A_631 = arith.constant 0 : i32
        %swap3A_632 = arith.constant 0 : i32
        %swap3A_633 = arith.constant 0 : i32
        %swap3A_634 = arith.constant 0 : i32
        %swap3A_635 = tpu.memref_slice %arg7[%swap3A_631, %swap3A_632, %swap3A_633, %swap3A_634] : memref<2x1x200x64xf32, #tpu.memory_space<vmem>> -> memref<1x1x200x64xf32, #tpu.memory_space<vmem>>
        %swap3A_636 = tpu.memref_squeeze %swap3A_635 : memref<1x1x200x64xf32, #tpu.memory_space<vmem>> -> memref<200x64xf32, #tpu.memory_space<vmem>>
        %swap3A_637 = arith.index_cast %add3A_630 : i32 to index
        %swap3A_638 = arith.constant 0 : index
        %swap3A_639 = tpu.vector_load %swap3A_636[%swap3A_637, %swap3A_638] {strides = array<i32>} : memref<200x64xf32, #tpu.memory_space<vmem>>, vector<1x16xf32>,
        %swap3A_640 = vector.shape_cast %swap3A_639 : vector<1x16xf32> to vector<16xf32>
        %swap3A_641 = vector.shape_cast %get3A_626 : vector<16xf32> to vector<1x16xf32>
        tpu.vector_store %swap3A_636[%swap3A_637, %swap3A_638], %swap3A_641 {strides = array<i32>} : memref<200x64xf32, #tpu.memory_space<vmem>>, vector<1x16xf32>,
        %mul3A_642 = arith.constant 4 : i32
        %mul3A_643 = arith.muli %scan3A_503, %mul3A_642 : i32
        %add3A_644 = arith.constant 1 : i32
        %add3A_645 = arith.addi %mul3A_643, %add3A_644 : i32
        %get3A_646 = arith.constant 0 : i32
        %get3A_647 = arith.constant 0 : i32
        %get3A_648 = arith.constant 0 : i32
        %get3A_649 = tpu.memref_slice %arg6[%get3A_646, %get3A_647, %get3A_648] : memref<2x256x128xf32, #tpu.memory_space<vmem>> -> memref<1x256x128xf32, #tpu.memory_space<vmem>>
        %get3A_650 = tpu.memref_squeeze %get3A_649 : memref<1x256x128xf32, #tpu.memory_space<vmem>> -> memref<256x128xf32, #tpu.memory_space<vmem>>
        %get3A_651 = arith.index_cast %add3A_645 : i32 to index
        %get3A_652 = arith.constant 16 : index
        %get3A_653 = tpu.vector_load %get3A_650[%get3A_651, %get3A_652] {strides = array<i32>} : memref<256x128xf32, #tpu.memory_space<vmem>>, vector<1x16xf32>,
        %get3A_654 = vector.shape_cast %get3A_653 : vector<1x16xf32> to vector<16xf32>
        %mul3A_655 = arith.constant 4 : i32
        %mul3A_656 = arith.muli %scan3A_503, %mul3A_655 : i32
        %add3A_657 = arith.constant 1 : i32
        %add3A_658 = arith.addi %mul3A_656, %add3A_657 : i32
        %swap3A_659 = arith.constant 0 : i32
        %swap3A_660 = arith.constant 0 : i32
        %swap3A_661 = arith.constant 0 : i32
        %swap3A_662 = arith.constant 0 : i32
        %swap3A_663 = tpu.memref_slice %arg7[%swap3A_659, %swap3A_660, %swap3A_661, %swap3A_662] : memref<2x1x200x64xf32, #tpu.memory_space<vmem>> -> memref<1x1x200x64xf32, #tpu.memory_space<vmem>>
        %swap3A_664 = tpu.memref_squeeze %swap3A_663 : memref<1x1x200x64xf32, #tpu.memory_space<vmem>> -> memref<200x64xf32, #tpu.memory_space<vmem>>
        %swap3A_665 = arith.index_cast %add3A_658 : i32 to index
        %swap3A_666 = arith.constant 16 : index
        %swap3A_667 = tpu.vector_load %swap3A_664[%swap3A_665, %swap3A_666] {strides = array<i32>} : memref<200x64xf32, #tpu.memory_space<vmem>>, vector<1x16xf32>,
        %swap3A_668 = vector.shape_cast %swap3A_667 : vector<1x16xf32> to vector<16xf32>
        %swap3A_669 = vector.shape_cast %get3A_654 : vector<16xf32> to vector<1x16xf32>
        tpu.vector_store %swap3A_664[%swap3A_665, %swap3A_666], %swap3A_669 {strides = array<i32>} : memref<200x64xf32, #tpu.memory_space<vmem>>, vector<1x16xf32>,
        %mul3A_670 = arith.constant 4 : i32
        %mul3A_671 = arith.muli %scan3A_503, %mul3A_670 : i32
        %add3A_672 = arith.constant 1 : i32
        %add3A_673 = arith.addi %mul3A_671, %add3A_672 : i32
        %get3A_674 = arith.constant 0 : i32
        %get3A_675 = arith.constant 0 : i32
        %get3A_676 = arith.constant 0 : i32
        %get3A_677 = tpu.memref_slice %arg6[%get3A_674, %get3A_675, %get3A_676] : memref<2x256x128xf32, #tpu.memory_space<vmem>> -> memref<1x256x128xf32, #tpu.memory_space<vmem>>
        %get3A_678 = tpu.memref_squeeze %get3A_677 : memref<1x256x128xf32, #tpu.memory_space<vmem>> -> memref<256x128xf32, #tpu.memory_space<vmem>>
        %get3A_679 = arith.index_cast %add3A_673 : i32 to index
        %get3A_680 = arith.constant 32 : index
        %get3A_681 = tpu.vector_load %get3A_678[%get3A_679, %get3A_680] {strides = array<i32>} : memref<256x128xf32, #tpu.memory_space<vmem>>, vector<1x16xf32>,
        %get3A_682 = vector.shape_cast %get3A_681 : vector<1x16xf32> to vector<16xf32>
        %mul3A_683 = arith.constant 4 : i32
        %mul3A_684 = arith.muli %scan3A_503, %mul3A_683 : i32
        %add3A_685 = arith.constant 1 : i32
        %add3A_686 = arith.addi %mul3A_684, %add3A_685 : i32
        %swap3A_687 = arith.constant 0 : i32
        %swap3A_688 = arith.constant 0 : i32
        %swap3A_689 = arith.constant 0 : i32
        %swap3A_690 = arith.constant 0 : i32
        %swap3A_691 = tpu.memref_slice %arg7[%swap3A_687, %swap3A_688, %swap3A_689, %swap3A_690] : memref<2x1x200x64xf32, #tpu.memory_space<vmem>> -> memref<1x1x200x64xf32, #tpu.memory_space<vmem>>
        %swap3A_692 = tpu.memref_squeeze %swap3A_691 : memref<1x1x200x64xf32, #tpu.memory_space<vmem>> -> memref<200x64xf32, #tpu.memory_space<vmem>>
        %swap3A_693 = arith.index_cast %add3A_686 : i32 to index
        %swap3A_694 = arith.constant 32 : index
        %swap3A_695 = tpu.vector_load %swap3A_692[%swap3A_693, %swap3A_694] {strides = array<i32>} : memref<200x64xf32, #tpu.memory_space<vmem>>, vector<1x16xf32>,
        %swap3A_696 = vector.shape_cast %swap3A_695 : vector<1x16xf32> to vector<16xf32>
        %swap3A_697 = vector.shape_cast %get3A_682 : vector<16xf32> to vector<1x16xf32>
        tpu.vector_store %swap3A_692[%swap3A_693, %swap3A_694], %swap3A_697 {strides = array<i32>} : memref<200x64xf32, #tpu.memory_space<vmem>>, vector<1x16xf32>,
        %mul3A_698 = arith.constant 4 : i32
        %mul3A_699 = arith.muli %scan3A_503, %mul3A_698 : i32
        %add3A_700 = arith.constant 1 : i32
        %add3A_701 = arith.addi %mul3A_699, %add3A_700 : i32
        %get3A_702 = arith.constant 0 : i32
        %get3A_703 = arith.constant 0 : i32
        %get3A_704 = arith.constant 0 : i32
        %get3A_705 = tpu.memref_slice %arg6[%get3A_702, %get3A_703, %get3A_704] : memref<2x256x128xf32, #tpu.memory_space<vmem>> -> memref<1x256x128xf32, #tpu.memory_space<vmem>>
        %get3A_706 = tpu.memref_squeeze %get3A_705 : memref<1x256x128xf32, #tpu.memory_space<vmem>> -> memref<256x128xf32, #tpu.memory_space<vmem>>
        %get3A_707 = arith.index_cast %add3A_701 : i32 to index
        %get3A_708 = arith.constant 48 : index
        %get3A_709 = tpu.vector_load %get3A_706[%get3A_707, %get3A_708] {strides = array<i32>} : memref<256x128xf32, #tpu.memory_space<vmem>>, vector<1x16xf32>,
        %get3A_710 = vector.shape_cast %get3A_709 : vector<1x16xf32> to vector<16xf32>
        %mul3A_711 = arith.constant 4 : i32
        %mul3A_712 = arith.muli %scan3A_503, %mul3A_711 : i32
        %add3A_713 = arith.constant 1 : i32
        %add3A_714 = arith.addi %mul3A_712, %add3A_713 : i32
        %swap3A_715 = arith.constant 0 : i32
        %swap3A_716 = arith.constant 0 : i32
        %swap3A_717 = arith.constant 0 : i32
        %swap3A_718 = arith.constant 0 : i32
        %swap3A_719 = tpu.memref_slice %arg7[%swap3A_715, %swap3A_716, %swap3A_717, %swap3A_718] : memref<2x1x200x64xf32, #tpu.memory_space<vmem>> -> memref<1x1x200x64xf32, #tpu.memory_space<vmem>>
        %swap3A_720 = tpu.memref_squeeze %swap3A_719 : memref<1x1x200x64xf32, #tpu.memory_space<vmem>> -> memref<200x64xf32, #tpu.memory_space<vmem>>
        %swap3A_721 = arith.index_cast %add3A_714 : i32 to index
        %swap3A_722 = arith.constant 48 : index
        %swap3A_723 = tpu.vector_load %swap3A_720[%swap3A_721, %swap3A_722] {strides = array<i32>} : memref<200x64xf32, #tpu.memory_space<vmem>>, vector<1x16xf32>,
        %swap3A_724 = vector.shape_cast %swap3A_723 : vector<1x16xf32> to vector<16xf32>
        %swap3A_725 = vector.shape_cast %get3A_710 : vector<16xf32> to vector<1x16xf32>
        tpu.vector_store %swap3A_720[%swap3A_721, %swap3A_722], %swap3A_725 {strides = array<i32>} : memref<200x64xf32, #tpu.memory_space<vmem>>, vector<1x16xf32>,
        %mul3A_726 = arith.constant 4 : i32
        %mul3A_727 = arith.muli %scan3A_503, %mul3A_726 : i32
        %add3A_728 = arith.constant 2 : i32
        %add3A_729 = arith.addi %mul3A_727, %add3A_728 : i32
        %get3A_730 = arith.constant 0 : i32
        %get3A_731 = arith.constant 0 : i32
        %get3A_732 = arith.constant 0 : i32
        %get3A_733 = tpu.memref_slice %arg6[%get3A_730, %get3A_731, %get3A_732] : memref<2x256x128xf32, #tpu.memory_space<vmem>> -> memref<1x256x128xf32, #tpu.memory_space<vmem>>
        %get3A_734 = tpu.memref_squeeze %get3A_733 : memref<1x256x128xf32, #tpu.memory_space<vmem>> -> memref<256x128xf32, #tpu.memory_space<vmem>>
        %get3A_735 = arith.index_cast %add3A_729 : i32 to index
        %get3A_736 = arith.constant 0 : index
        %get3A_737 = tpu.vector_load %get3A_734[%get3A_735, %get3A_736] {strides = array<i32>} : memref<256x128xf32, #tpu.memory_space<vmem>>, vector<1x16xf32>,
        %get3A_738 = vector.shape_cast %get3A_737 : vector<1x16xf32> to vector<16xf32>
        %mul3A_739 = arith.constant 4 : i32
        %mul3A_740 = arith.muli %scan3A_503, %mul3A_739 : i32
        %add3A_741 = arith.constant 2 : i32
        %add3A_742 = arith.addi %mul3A_740, %add3A_741 : i32
        %swap3A_743 = arith.constant 0 : i32
        %swap3A_744 = arith.constant 0 : i32
        %swap3A_745 = arith.constant 0 : i32
        %swap3A_746 = arith.constant 0 : i32
        %swap3A_747 = tpu.memref_slice %arg7[%swap3A_743, %swap3A_744, %swap3A_745, %swap3A_746] : memref<2x1x200x64xf32, #tpu.memory_space<vmem>> -> memref<1x1x200x64xf32, #tpu.memory_space<vmem>>
        %swap3A_748 = tpu.memref_squeeze %swap3A_747 : memref<1x1x200x64xf32, #tpu.memory_space<vmem>> -> memref<200x64xf32, #tpu.memory_space<vmem>>
        %swap3A_749 = arith.index_cast %add3A_742 : i32 to index
        %swap3A_750 = arith.constant 0 : index
        %swap3A_751 = tpu.vector_load %swap3A_748[%swap3A_749, %swap3A_750] {strides = array<i32>} : memref<200x64xf32, #tpu.memory_space<vmem>>, vector<1x16xf32>,
        %swap3A_752 = vector.shape_cast %swap3A_751 : vector<1x16xf32> to vector<16xf32>
        %swap3A_753 = vector.shape_cast %get3A_738 : vector<16xf32> to vector<1x16xf32>
        tpu.vector_store %swap3A_748[%swap3A_749, %swap3A_750], %swap3A_753 {strides = array<i32>} : memref<200x64xf32, #tpu.memory_space<vmem>>, vector<1x16xf32>,
        %mul3A_754 = arith.constant 4 : i32
        %mul3A_755 = arith.muli %scan3A_503, %mul3A_754 : i32
        %add3A_756 = arith.constant 2 : i32
        %add3A_757 = arith.addi %mul3A_755, %add3A_756 : i32
        %get3A_758 = arith.constant 0 : i32
        %get3A_759 = arith.constant 0 : i32
        %get3A_760 = arith.constant 0 : i32
        %get3A_761 = tpu.memref_slice %arg6[%get3A_758, %get3A_759, %get3A_760] : memref<2x256x128xf32, #tpu.memory_space<vmem>> -> memref<1x256x128xf32, #tpu.memory_space<vmem>>
        %get3A_762 = tpu.memref_squeeze %get3A_761 : memref<1x256x128xf32, #tpu.memory_space<vmem>> -> memref<256x128xf32, #tpu.memory_space<vmem>>
        %get3A_763 = arith.index_cast %add3A_757 : i32 to index
        %get3A_764 = arith.constant 16 : index
        %get3A_765 = tpu.vector_load %get3A_762[%get3A_763, %get3A_764] {strides = array<i32>} : memref<256x128xf32, #tpu.memory_space<vmem>>, vector<1x16xf32>,
        %get3A_766 = vector.shape_cast %get3A_765 : vector<1x16xf32> to vector<16xf32>
        %mul3A_767 = arith.constant 4 : i32
        %mul3A_768 = arith.muli %scan3A_503, %mul3A_767 : i32
        %add3A_769 = arith.constant 2 : i32
        %add3A_770 = arith.addi %mul3A_768, %add3A_769 : i32
        %swap3A_771 = arith.constant 0 : i32
        %swap3A_772 = arith.constant 0 : i32
        %swap3A_773 = arith.constant 0 : i32
        %swap3A_774 = arith.constant 0 : i32
        %swap3A_775 = tpu.memref_slice %arg7[%swap3A_771, %swap3A_772, %swap3A_773, %swap3A_774] : memref<2x1x200x64xf32, #tpu.memory_space<vmem>> -> memref<1x1x200x64xf32, #tpu.memory_space<vmem>>
        %swap3A_776 = tpu.memref_squeeze %swap3A_775 : memref<1x1x200x64xf32, #tpu.memory_space<vmem>> -> memref<200x64xf32, #tpu.memory_space<vmem>>
        %swap3A_777 = arith.index_cast %add3A_770 : i32 to index
        %swap3A_778 = arith.constant 16 : index
        %swap3A_779 = tpu.vector_load %swap3A_776[%swap3A_777, %swap3A_778] {strides = array<i32>} : memref<200x64xf32, #tpu.memory_space<vmem>>, vector<1x16xf32>,
        %swap3A_780 = vector.shape_cast %swap3A_779 : vector<1x16xf32> to vector<16xf32>
        %swap3A_781 = vector.shape_cast %get3A_766 : vector<16xf32> to vector<1x16xf32>
        tpu.vector_store %swap3A_776[%swap3A_777, %swap3A_778], %swap3A_781 {strides = array<i32>} : memref<200x64xf32, #tpu.memory_space<vmem>>, vector<1x16xf32>,
        %mul3A_782 = arith.constant 4 : i32
        %mul3A_783 = arith.muli %scan3A_503, %mul3A_782 : i32
        %add3A_784 = arith.constant 2 : i32
        %add3A_785 = arith.addi %mul3A_783, %add3A_784 : i32
        %get3A_786 = arith.constant 0 : i32
        %get3A_787 = arith.constant 0 : i32
        %get3A_788 = arith.constant 0 : i32
        %get3A_789 = tpu.memref_slice %arg6[%get3A_786, %get3A_787, %get3A_788] : memref<2x256x128xf32, #tpu.memory_space<vmem>> -> memref<1x256x128xf32, #tpu.memory_space<vmem>>
        %get3A_790 = tpu.memref_squeeze %get3A_789 : memref<1x256x128xf32, #tpu.memory_space<vmem>> -> memref<256x128xf32, #tpu.memory_space<vmem>>
        %get3A_791 = arith.index_cast %add3A_785 : i32 to index
        %get3A_792 = arith.constant 32 : index
        %get3A_793 = tpu.vector_load %get3A_790[%get3A_791, %get3A_792] {strides = array<i32>} : memref<256x128xf32, #tpu.memory_space<vmem>>, vector<1x16xf32>,
        %get3A_794 = vector.shape_cast %get3A_793 : vector<1x16xf32> to vector<16xf32>
        %mul3A_795 = arith.constant 4 : i32
        %mul3A_796 = arith.muli %scan3A_503, %mul3A_795 : i32
        %add3A_797 = arith.constant 2 : i32
        %add3A_798 = arith.addi %mul3A_796, %add3A_797 : i32
        %swap3A_799 = arith.constant 0 : i32
        %swap3A_800 = arith.constant 0 : i32
        %swap3A_801 = arith.constant 0 : i32
        %swap3A_802 = arith.constant 0 : i32
        %swap3A_803 = tpu.memref_slice %arg7[%swap3A_799, %swap3A_800, %swap3A_801, %swap3A_802] : memref<2x1x200x64xf32, #tpu.memory_space<vmem>> -> memref<1x1x200x64xf32, #tpu.memory_space<vmem>>
        %swap3A_804 = tpu.memref_squeeze %swap3A_803 : memref<1x1x200x64xf32, #tpu.memory_space<vmem>> -> memref<200x64xf32, #tpu.memory_space<vmem>>
        %swap3A_805 = arith.index_cast %add3A_798 : i32 to index
        %swap3A_806 = arith.constant 32 : index
        %swap3A_807 = tpu.vector_load %swap3A_804[%swap3A_805, %swap3A_806] {strides = array<i32>} : memref<200x64xf32, #tpu.memory_space<vmem>>, vector<1x16xf32>,
        %swap3A_808 = vector.shape_cast %swap3A_807 : vector<1x16xf32> to vector<16xf32>
        %swap3A_809 = vector.shape_cast %get3A_794 : vector<16xf32> to vector<1x16xf32>
        tpu.vector_store %swap3A_804[%swap3A_805, %swap3A_806], %swap3A_809 {strides = array<i32>} : memref<200x64xf32, #tpu.memory_space<vmem>>, vector<1x16xf32>,
        %mul3A_810 = arith.constant 4 : i32
        %mul3A_811 = arith.muli %scan3A_503, %mul3A_810 : i32
        %add3A_812 = arith.constant 2 : i32
        %add3A_813 = arith.addi %mul3A_811, %add3A_812 : i32
        %get3A_814 = arith.constant 0 : i32
        %get3A_815 = arith.constant 0 : i32
        %get3A_816 = arith.constant 0 : i32
        %get3A_817 = tpu.memref_slice %arg6[%get3A_814, %get3A_815, %get3A_816] : memref<2x256x128xf32, #tpu.memory_space<vmem>> -> memref<1x256x128xf32, #tpu.memory_space<vmem>>
        %get3A_818 = tpu.memref_squeeze %get3A_817 : memref<1x256x128xf32, #tpu.memory_space<vmem>> -> memref<256x128xf32, #tpu.memory_space<vmem>>
        %get3A_819 = arith.index_cast %add3A_813 : i32 to index
        %get3A_820 = arith.constant 48 : index
        %get3A_821 = tpu.vector_load %get3A_818[%get3A_819, %get3A_820] {strides = array<i32>} : memref<256x128xf32, #tpu.memory_space<vmem>>, vector<1x16xf32>,
        %get3A_822 = vector.shape_cast %get3A_821 : vector<1x16xf32> to vector<16xf32>
        %mul3A_823 = arith.constant 4 : i32
        %mul3A_824 = arith.muli %scan3A_503, %mul3A_823 : i32
        %add3A_825 = arith.constant 2 : i32
        %add3A_826 = arith.addi %mul3A_824, %add3A_825 : i32
        %swap3A_827 = arith.constant 0 : i32
        %swap3A_828 = arith.constant 0 : i32
        %swap3A_829 = arith.constant 0 : i32
        %swap3A_830 = arith.constant 0 : i32
        %swap3A_831 = tpu.memref_slice %arg7[%swap3A_827, %swap3A_828, %swap3A_829, %swap3A_830] : memref<2x1x200x64xf32, #tpu.memory_space<vmem>> -> memref<1x1x200x64xf32, #tpu.memory_space<vmem>>
        %swap3A_832 = tpu.memref_squeeze %swap3A_831 : memref<1x1x200x64xf32, #tpu.memory_space<vmem>> -> memref<200x64xf32, #tpu.memory_space<vmem>>
        %swap3A_833 = arith.index_cast %add3A_826 : i32 to index
        %swap3A_834 = arith.constant 48 : index
        %swap3A_835 = tpu.vector_load %swap3A_832[%swap3A_833, %swap3A_834] {strides = array<i32>} : memref<200x64xf32, #tpu.memory_space<vmem>>, vector<1x16xf32>,
        %swap3A_836 = vector.shape_cast %swap3A_835 : vector<1x16xf32> to vector<16xf32>
        %swap3A_837 = vector.shape_cast %get3A_822 : vector<16xf32> to vector<1x16xf32>
        tpu.vector_store %swap3A_832[%swap3A_833, %swap3A_834], %swap3A_837 {strides = array<i32>} : memref<200x64xf32, #tpu.memory_space<vmem>>, vector<1x16xf32>,
        %mul3A_838 = arith.constant 4 : i32
        %mul3A_839 = arith.muli %scan3A_503, %mul3A_838 : i32
        %add3A_840 = arith.constant 3 : i32
        %add3A_841 = arith.addi %mul3A_839, %add3A_840 : i32
        %get3A_842 = arith.constant 0 : i32
        %get3A_843 = arith.constant 0 : i32
        %get3A_844 = arith.constant 0 : i32
        %get3A_845 = tpu.memref_slice %arg6[%get3A_842, %get3A_843, %get3A_844] : memref<2x256x128xf32, #tpu.memory_space<vmem>> -> memref<1x256x128xf32, #tpu.memory_space<vmem>>
        %get3A_846 = tpu.memref_squeeze %get3A_845 : memref<1x256x128xf32, #tpu.memory_space<vmem>> -> memref<256x128xf32, #tpu.memory_space<vmem>>
        %get3A_847 = arith.index_cast %add3A_841 : i32 to index
        %get3A_848 = arith.constant 0 : index
        %get3A_849 = tpu.vector_load %get3A_846[%get3A_847, %get3A_848] {strides = array<i32>} : memref<256x128xf32, #tpu.memory_space<vmem>>, vector<1x16xf32>,
        %get3A_850 = vector.shape_cast %get3A_849 : vector<1x16xf32> to vector<16xf32>
        %mul3A_851 = arith.constant 4 : i32
        %mul3A_852 = arith.muli %scan3A_503, %mul3A_851 : i32
        %add3A_853 = arith.constant 3 : i32
        %add3A_854 = arith.addi %mul3A_852, %add3A_853 : i32
        %swap3A_855 = arith.constant 0 : i32
        %swap3A_856 = arith.constant 0 : i32
        %swap3A_857 = arith.constant 0 : i32
        %swap3A_858 = arith.constant 0 : i32
        %swap3A_859 = tpu.memref_slice %arg7[%swap3A_855, %swap3A_856, %swap3A_857, %swap3A_858] : memref<2x1x200x64xf32, #tpu.memory_space<vmem>> -> memref<1x1x200x64xf32, #tpu.memory_space<vmem>>
        %swap3A_860 = tpu.memref_squeeze %swap3A_859 : memref<1x1x200x64xf32, #tpu.memory_space<vmem>> -> memref<200x64xf32, #tpu.memory_space<vmem>>
        %swap3A_861 = arith.index_cast %add3A_854 : i32 to index
        %swap3A_862 = arith.constant 0 : index
        %swap3A_863 = tpu.vector_load %swap3A_860[%swap3A_861, %swap3A_862] {strides = array<i32>} : memref<200x64xf32, #tpu.memory_space<vmem>>, vector<1x16xf32>,
        %swap3A_864 = vector.shape_cast %swap3A_863 : vector<1x16xf32> to vector<16xf32>
        %swap3A_865 = vector.shape_cast %get3A_850 : vector<16xf32> to vector<1x16xf32>
        tpu.vector_store %swap3A_860[%swap3A_861, %swap3A_862], %swap3A_865 {strides = array<i32>} : memref<200x64xf32, #tpu.memory_space<vmem>>, vector<1x16xf32>,
        %mul3A_866 = arith.constant 4 : i32
        %mul3A_867 = arith.muli %scan3A_503, %mul3A_866 : i32
        %add3A_868 = arith.constant 3 : i32
        %add3A_869 = arith.addi %mul3A_867, %add3A_868 : i32
        %get3A_870 = arith.constant 0 : i32
        %get3A_871 = arith.constant 0 : i32
        %get3A_872 = arith.constant 0 : i32
        %get3A_873 = tpu.memref_slice %arg6[%get3A_870, %get3A_871, %get3A_872] : memref<2x256x128xf32, #tpu.memory_space<vmem>> -> memref<1x256x128xf32, #tpu.memory_space<vmem>>
        %get3A_874 = tpu.memref_squeeze %get3A_873 : memref<1x256x128xf32, #tpu.memory_space<vmem>> -> memref<256x128xf32, #tpu.memory_space<vmem>>
        %get3A_875 = arith.index_cast %add3A_869 : i32 to index
        %get3A_876 = arith.constant 16 : index
        %get3A_877 = tpu.vector_load %get3A_874[%get3A_875, %get3A_876] {strides = array<i32>} : memref<256x128xf32, #tpu.memory_space<vmem>>, vector<1x16xf32>,
        %get3A_878 = vector.shape_cast %get3A_877 : vector<1x16xf32> to vector<16xf32>
        %mul3A_879 = arith.constant 4 : i32
        %mul3A_880 = arith.muli %scan3A_503, %mul3A_879 : i32
        %add3A_881 = arith.constant 3 : i32
        %add3A_882 = arith.addi %mul3A_880, %add3A_881 : i32
        %swap3A_883 = arith.constant 0 : i32
        %swap3A_884 = arith.constant 0 : i32
        %swap3A_885 = arith.constant 0 : i32
        %swap3A_886 = arith.constant 0 : i32
        %swap3A_887 = tpu.memref_slice %arg7[%swap3A_883, %swap3A_884, %swap3A_885, %swap3A_886] : memref<2x1x200x64xf32, #tpu.memory_space<vmem>> -> memref<1x1x200x64xf32, #tpu.memory_space<vmem>>
        %swap3A_888 = tpu.memref_squeeze %swap3A_887 : memref<1x1x200x64xf32, #tpu.memory_space<vmem>> -> memref<200x64xf32, #tpu.memory_space<vmem>>
        %swap3A_889 = arith.index_cast %add3A_882 : i32 to index
        %swap3A_890 = arith.constant 16 : index
        %swap3A_891 = tpu.vector_load %swap3A_888[%swap3A_889, %swap3A_890] {strides = array<i32>} : memref<200x64xf32, #tpu.memory_space<vmem>>, vector<1x16xf32>,
        %swap3A_892 = vector.shape_cast %swap3A_891 : vector<1x16xf32> to vector<16xf32>
        %swap3A_893 = vector.shape_cast %get3A_878 : vector<16xf32> to vector<1x16xf32>
        tpu.vector_store %swap3A_888[%swap3A_889, %swap3A_890], %swap3A_893 {strides = array<i32>} : memref<200x64xf32, #tpu.memory_space<vmem>>, vector<1x16xf32>,
        %mul3A_894 = arith.constant 4 : i32
        %mul3A_895 = arith.muli %scan3A_503, %mul3A_894 : i32
        %add3A_896 = arith.constant 3 : i32
        %add3A_897 = arith.addi %mul3A_895, %add3A_896 : i32
        %get3A_898 = arith.constant 0 : i32
        %get3A_899 = arith.constant 0 : i32
        %get3A_900 = arith.constant 0 : i32
        %get3A_901 = tpu.memref_slice %arg6[%get3A_898, %get3A_899, %get3A_900] : memref<2x256x128xf32, #tpu.memory_space<vmem>> -> memref<1x256x128xf32, #tpu.memory_space<vmem>>
        %get3A_902 = tpu.memref_squeeze %get3A_901 : memref<1x256x128xf32, #tpu.memory_space<vmem>> -> memref<256x128xf32, #tpu.memory_space<vmem>>
        %get3A_903 = arith.index_cast %add3A_897 : i32 to index
        %get3A_904 = arith.constant 32 : index
        %get3A_905 = tpu.vector_load %get3A_902[%get3A_903, %get3A_904] {strides = array<i32>} : memref<256x128xf32, #tpu.memory_space<vmem>>, vector<1x16xf32>,
        %get3A_906 = vector.shape_cast %get3A_905 : vector<1x16xf32> to vector<16xf32>
        %mul3A_907 = arith.constant 4 : i32
        %mul3A_908 = arith.muli %scan3A_503, %mul3A_907 : i32
        %add3A_909 = arith.constant 3 : i32
        %add3A_910 = arith.addi %mul3A_908, %add3A_909 : i32
        %swap3A_911 = arith.constant 0 : i32
        %swap3A_912 = arith.constant 0 : i32
        %swap3A_913 = arith.constant 0 : i32
        %swap3A_914 = arith.constant 0 : i32
        %swap3A_915 = tpu.memref_slice %arg7[%swap3A_911, %swap3A_912, %swap3A_913, %swap3A_914] : memref<2x1x200x64xf32, #tpu.memory_space<vmem>> -> memref<1x1x200x64xf32, #tpu.memory_space<vmem>>
        %swap3A_916 = tpu.memref_squeeze %swap3A_915 : memref<1x1x200x64xf32, #tpu.memory_space<vmem>> -> memref<200x64xf32, #tpu.memory_space<vmem>>
        %swap3A_917 = arith.index_cast %add3A_910 : i32 to index
        %swap3A_918 = arith.constant 32 : index
        %swap3A_919 = tpu.vector_load %swap3A_916[%swap3A_917, %swap3A_918] {strides = array<i32>} : memref<200x64xf32, #tpu.memory_space<vmem>>, vector<1x16xf32>,
        %swap3A_920 = vector.shape_cast %swap3A_919 : vector<1x16xf32> to vector<16xf32>
        %swap3A_921 = vector.shape_cast %get3A_906 : vector<16xf32> to vector<1x16xf32>
        tpu.vector_store %swap3A_916[%swap3A_917, %swap3A_918], %swap3A_921 {strides = array<i32>} : memref<200x64xf32, #tpu.memory_space<vmem>>, vector<1x16xf32>,
        %mul3A_922 = arith.constant 4 : i32
        %mul3A_923 = arith.muli %scan3A_503, %mul3A_922 : i32
        %add3A_924 = arith.constant 3 : i32
        %add3A_925 = arith.addi %mul3A_923, %add3A_924 : i32
        %get3A_926 = arith.constant 0 : i32
        %get3A_927 = arith.constant 0 : i32
        %get3A_928 = arith.constant 0 : i32
        %get3A_929 = tpu.memref_slice %arg6[%get3A_926, %get3A_927, %get3A_928] : memref<2x256x128xf32, #tpu.memory_space<vmem>> -> memref<1x256x128xf32, #tpu.memory_space<vmem>>
        %get3A_930 = tpu.memref_squeeze %get3A_929 : memref<1x256x128xf32, #tpu.memory_space<vmem>> -> memref<256x128xf32, #tpu.memory_space<vmem>>
        %get3A_931 = arith.index_cast %add3A_925 : i32 to index
        %get3A_932 = arith.constant 48 : index
        %get3A_933 = tpu.vector_load %get3A_930[%get3A_931, %get3A_932] {strides = array<i32>} : memref<256x128xf32, #tpu.memory_space<vmem>>, vector<1x16xf32>,
        %get3A_934 = vector.shape_cast %get3A_933 : vector<1x16xf32> to vector<16xf32>
        %mul3A_935 = arith.constant 4 : i32
        %mul3A_936 = arith.muli %scan3A_503, %mul3A_935 : i32
        %add3A_937 = arith.constant 3 : i32
        %add3A_938 = arith.addi %mul3A_936, %add3A_937 : i32
        %swap3A_939 = arith.constant 0 : i32
        %swap3A_940 = arith.constant 0 : i32
        %swap3A_941 = arith.constant 0 : i32
        %swap3A_942 = arith.constant 0 : i32
        %swap3A_943 = tpu.memref_slice %arg7[%swap3A_939, %swap3A_940, %swap3A_941, %swap3A_942] : memref<2x1x200x64xf32, #tpu.memory_space<vmem>> -> memref<1x1x200x64xf32, #tpu.memory_space<vmem>>
        %swap3A_944 = tpu.memref_squeeze %swap3A_943 : memref<1x1x200x64xf32, #tpu.memory_space<vmem>> -> memref<200x64xf32, #tpu.memory_space<vmem>>
        %swap3A_945 = arith.index_cast %add3A_938 : i32 to index
        %swap3A_946 = arith.constant 48 : index
        %swap3A_947 = tpu.vector_load %swap3A_944[%swap3A_945, %swap3A_946] {strides = array<i32>} : memref<200x64xf32, #tpu.memory_space<vmem>>, vector<1x16xf32>,
        %swap3A_948 = vector.shape_cast %swap3A_947 : vector<1x16xf32> to vector<16xf32>
        %swap3A_949 = vector.shape_cast %get3A_934 : vector<16xf32> to vector<1x16xf32>
        tpu.vector_store %swap3A_944[%swap3A_945, %swap3A_946], %swap3A_949 {strides = array<i32>} : memref<200x64xf32, #tpu.memory_space<vmem>>, vector<1x16xf32>,
      }
      %scan3A_331 = arith.constant 50 : i32
      %add3A_332 = arith.addi %mul3A_2, %add3A_209 : i32
      %dma_start3A_333 = arith.constant 0 : i32
      %dma_start3A_334 = arith.constant 0 : i32
      %dma_start3A_335 = arith.constant 0 : i32
      %dma_start3A_336 = arith.constant 0 : i32
      %dma_start3A_337 = arith.constant 0 : i32
      %dma_start3A_338 = tpu.memref_slice %arg7[%dma_start3A_333, %dma_start3A_335, %dma_start3A_336, %dma_start3A_337] : memref<2x1x200x64xf32, #tpu.memory_space<vmem>> -> memref<1x1x200x64xf32, #tpu.memory_space<vmem>>
      %dma_start3A_339 = tpu.memref_squeeze %dma_start3A_338 : memref<1x1x200x64xf32, #tpu.memory_space<vmem>> -> memref<1x200x64xf32, #tpu.memory_space<vmem>>
      %dma_start3A_340 = arith.constant 0 : i32
      %dma_start3A_341 = arith.constant 0 : i32
      %dma_start3A_342 = tpu.memref_slice %arg4[%add3A_332, %dma_start3A_340, %dma_start3A_341] : memref<16384x200x64xf32, #tpu.memory_space<hbm>> -> memref<1x200x64xf32, #tpu.memory_space<hbm>>
      %dma_start3A_343 = tpu.memref_slice %arg10[%dma_start3A_334] : memref<2x!tpu.dma_semaphore, #tpu.memory_space<semaphore_mem>> -> memref<1x!tpu.dma_semaphore, #tpu.memory_space<semaphore_mem>>
      %dma_start3A_344 = tpu.memref_squeeze %dma_start3A_343 : memref<1x!tpu.dma_semaphore, #tpu.memory_space<semaphore_mem>> -> memref<!tpu.dma_semaphore, #tpu.memory_space<semaphore_mem>>
      %dma_start3A_345 = arith.constant 0 : i32
      %dma_start3A_346 = arith.constant 0 : i32
      %dma_start3A_347 = tpu.memref_slice %arg4[%add3A_332, %dma_start3A_345, %dma_start3A_346] : memref<16384x200x64xf32, #tpu.memory_space<hbm>> -> memref<1x200x64xf32, #tpu.memory_space<hbm>>
      %dma_start3A_348 = arith.constant 0 : i32
      %dma_start3A_349 = arith.constant 0 : i32
      %dma_start3A_350 = arith.constant 0 : i32
      %dma_start3A_351 = tpu.memref_slice %arg7[%dma_start3A_333, %dma_start3A_348, %dma_start3A_349, %dma_start3A_350] : memref<2x1x200x64xf32, #tpu.memory_space<vmem>> -> memref<1x1x200x64xf32, #tpu.memory_space<vmem>>
      %dma_start3A_352 = tpu.memref_squeeze %dma_start3A_351 : memref<1x1x200x64xf32, #tpu.memory_space<vmem>> -> memref<1x200x64xf32, #tpu.memory_space<vmem>>
      tpu.enqueue_dma source(%dma_start3A_352 : memref<1x200x64xf32, #tpu.memory_space<vmem>>) target(%dma_start3A_347 : memref<1x200x64xf32, #tpu.memory_space<hbm>>) target_semaphore(%dma_start3A_344 : memref<!tpu.dma_semaphore, #tpu.memory_space<semaphore_mem>>)
      %mul3A_353 = arith.constant 2 : i32
      %mul3A_354 = arith.muli %scan3A_205, %mul3A_353 : i32
      %add3A_355 = arith.constant 1 : i32
      %add3A_356 = arith.addi %mul3A_354, %add3A_355 : i32
      %dma_wait3A_357 = arith.constant 1 : i32
      %dma_wait3A_358 = arith.constant 0 : i32
      %dma_wait3A_359 = arith.constant 1 : i32
      %dma_wait3A_360 = arith.constant 1 : i32
      %dma_wait3A_361 = arith.constant 0 : i32
      %dma_wait3A_362 = arith.constant 0 : i32
      %dma_wait3A_363 = tpu.memref_slice %arg6[%dma_wait3A_359, %dma_wait3A_361, %dma_wait3A_362] : memref<2x256x128xf32, #tpu.memory_space<vmem>> -> memref<1x128x128xf32, #tpu.memory_space<vmem>>
      %dma_wait3A_364 = tpu.memref_squeeze %dma_wait3A_363 : memref<1x128x128xf32, #tpu.memory_space<vmem>> -> memref<128x128xf32, #tpu.memory_space<vmem>>
      %dma_wait3A_365 = arith.constant 0 : i32
      %dma_wait3A_366 = tpu.memref_slice %arg5[%dma_wait3A_357, %dma_wait3A_358, %dma_wait3A_365] : memref<2x8x128xi32, #tpu.memory_space<vmem>> -> memref<1x1x128xi32, #tpu.memory_space<vmem>>
      %dma_wait3A_367 = tpu.memref_squeeze %dma_wait3A_366 : memref<1x1x128xi32, #tpu.memory_space<vmem>> -> memref<128xi32, #tpu.memory_space<vmem>>
      %dma_wait3A_368 = arith.constant 0 : i32
      %dma_wait3A_369 = arith.constant 0 : i32
      %dma_wait3A_370 = tpu.memref_slice %arg3[%dma_wait3A_368, %dma_wait3A_369] : memref<8192x128xf32, #tpu.memory_space<hbm>> -> memref<8192x128xf32, #tpu.memory_space<hbm>>
      %dma_wait3A_371 = tpu.memref_slice %arg9[%dma_wait3A_360] : memref<2x!tpu.dma_semaphore, #tpu.memory_space<semaphore_mem>> -> memref<1x!tpu.dma_semaphore, #tpu.memory_space<semaphore_mem>>
      %dma_wait3A_372 = tpu.memref_squeeze %dma_wait3A_371 : memref<1x!tpu.dma_semaphore, #tpu.memory_space<semaphore_mem>> -> memref<!tpu.dma_semaphore, #tpu.memory_space<semaphore_mem>>
      tpu.wait_indirect_dma semaphore(%dma_wait3A_372 : memref<!tpu.dma_semaphore, #tpu.memory_space<semaphore_mem>>) src(%dma_wait3A_370 : memref<8192x128xf32, #tpu.memory_space<hbm>>) dst(%dma_wait3A_364 : memref<128x128xf32, #tpu.memory_space<vmem>>)
      %dma_wait3A_373 = arith.constant 1 : i32
      %dma_wait3A_374 = arith.constant 1 : i32
      %dma_wait3A_375 = arith.constant 1 : i32
      %dma_wait3A_376 = arith.constant 1 : i32
      %dma_wait3A_377 = arith.constant 128 : i32
      %dma_wait3A_378 = arith.constant 0 : i32
      %dma_wait3A_379 = tpu.memref_slice %arg6[%dma_wait3A_375, %dma_wait3A_377, %dma_wait3A_378] : memref<2x256x128xf32, #tpu.memory_space<vmem>> -> memref<1x128x128xf32, #tpu.memory_space<vmem>>
      %dma_wait3A_380 = tpu.memref_squeeze %dma_wait3A_379 : memref<1x128x128xf32, #tpu.memory_space<vmem>> -> memref<128x128xf32, #tpu.memory_space<vmem>>
      %dma_wait3A_381 = arith.constant 0 : i32
      %dma_wait3A_382 = tpu.memref_slice %arg5[%dma_wait3A_373, %dma_wait3A_374, %dma_wait3A_381] : memref<2x8x128xi32, #tpu.memory_space<vmem>> -> memref<1x1x128xi32, #tpu.memory_space<vmem>>
      %dma_wait3A_383 = tpu.memref_squeeze %dma_wait3A_382 : memref<1x1x128xi32, #tpu.memory_space<vmem>> -> memref<128xi32, #tpu.memory_space<vmem>>
      %dma_wait3A_384 = arith.constant 0 : i32
      %dma_wait3A_385 = arith.constant 0 : i32
      %dma_wait3A_386 = tpu.memref_slice %arg3[%dma_wait3A_384, %dma_wait3A_385] : memref<8192x128xf32, #tpu.memory_space<hbm>> -> memref<8192x128xf32, #tpu.memory_space<hbm>>
      %dma_wait3A_387 = tpu.memref_slice %arg9[%dma_wait3A_376] : memref<2x!tpu.dma_semaphore, #tpu.memory_space<semaphore_mem>> -> memref<1x!tpu.dma_semaphore, #tpu.memory_space<semaphore_mem>>
      %dma_wait3A_388 = tpu.memref_squeeze %dma_wait3A_387 : memref<1x!tpu.dma_semaphore, #tpu.memory_space<semaphore_mem>> -> memref<!tpu.dma_semaphore, #tpu.memory_space<semaphore_mem>>
      tpu.wait_indirect_dma semaphore(%dma_wait3A_388 : memref<!tpu.dma_semaphore, #tpu.memory_space<semaphore_mem>>) src(%dma_wait3A_386 : memref<8192x128xf32, #tpu.memory_space<hbm>>) dst(%dma_wait3A_380 : memref<128x128xf32, #tpu.memory_space<vmem>>)
      %add3A_389 = arith.constant 2 : i32
      %add3A_390 = arith.addi %add3A_356, %add3A_389 : i32
      %min3A_391 = arith.constant 511 : i32
      %min3A_392 = arith.minsi %add3A_390, %min3A_391 : i32
      %add3A_393 = arith.addi %mul3A_2, %min3A_392 : i32
      %dma_start3A_394 = arith.constant 1 : i32
      %dma_start3A_395 = arith.constant 1 : i32
      %dma_start3A_396 = arith.constant 0 : i32
      %dma_start3A_397 = arith.constant 0 : i32
      %dma_start3A_398 = tpu.memref_slice %arg5[%dma_start3A_394, %dma_start3A_396, %dma_start3A_397] : memref<2x8x128xi32, #tpu.memory_space<vmem>> -> memref<1x8x128xi32, #tpu.memory_space<vmem>>
      %dma_start3A_399 = tpu.memref_squeeze %dma_start3A_398 : memref<1x8x128xi32, #tpu.memory_space<vmem>> -> memref<8x128xi32, #tpu.memory_space<vmem>>
      %dma_start3A_400 = arith.constant 0 : i32
      %dma_start3A_401 = arith.constant 0 : i32
      %dma_start3A_402 = tpu.memref_slice %arg2[%add3A_393, %dma_start3A_400, %dma_start3A_401] : memref<16384x8x128xi32, #tpu.memory_space<hbm>> -> memref<1x8x128xi32, #tpu.memory_space<hbm>>
      %dma_start3A_403 = tpu.memref_squeeze %dma_start3A_402 : memref<1x8x128xi32, #tpu.memory_space<hbm>> -> memref<8x128xi32, #tpu.memory_space<hbm>>
      %dma_start3A_404 = tpu.memref_slice %arg8[%dma_start3A_395] : memref<2x!tpu.dma_semaphore, #tpu.memory_space<semaphore_mem>> -> memref<1x!tpu.dma_semaphore, #tpu.memory_space<semaphore_mem>>
      %dma_start3A_405 = tpu.memref_squeeze %dma_start3A_404 : memref<1x!tpu.dma_semaphore, #tpu.memory_space<semaphore_mem>> -> memref<!tpu.dma_semaphore, #tpu.memory_space<semaphore_mem>>
      %dma_start3A_406 = arith.constant 0 : i32
      %dma_start3A_407 = arith.constant 0 : i32
      %dma_start3A_408 = tpu.memref_slice %arg5[%dma_start3A_394, %dma_start3A_406, %dma_start3A_407] : memref<2x8x128xi32, #tpu.memory_space<vmem>> -> memref<1x8x128xi32, #tpu.memory_space<vmem>>
      %dma_start3A_409 = tpu.memref_squeeze %dma_start3A_408 : memref<1x8x128xi32, #tpu.memory_space<vmem>> -> memref<8x128xi32, #tpu.memory_space<vmem>>
      %dma_start3A_410 = arith.constant 0 : i32
      %dma_start3A_411 = arith.constant 0 : i32
      %dma_start3A_412 = tpu.memref_slice %arg2[%add3A_393, %dma_start3A_410, %dma_start3A_411] : memref<16384x8x128xi32, #tpu.memory_space<hbm>> -> memref<1x8x128xi32, #tpu.memory_space<hbm>>
      %dma_start3A_413 = tpu.memref_squeeze %dma_start3A_412 : memref<1x8x128xi32, #tpu.memory_space<hbm>> -> memref<8x128xi32, #tpu.memory_space<hbm>>
      tpu.enqueue_dma source(%dma_start3A_413 : memref<8x128xi32, #tpu.memory_space<hbm>>) target(%dma_start3A_409 : memref<8x128xi32, #tpu.memory_space<vmem>>) target_semaphore(%dma_start3A_405 : memref<!tpu.dma_semaphore, #tpu.memory_space<semaphore_mem>>)
      %add3A_414 = arith.constant 1 : i32
      %add3A_415 = arith.addi %add3A_356, %add3A_414 : i32
      %min3A_416 = arith.constant 511 : i32
      %min3A_417 = arith.minsi %add3A_415, %min3A_416 : i32
      %add3A_418 = arith.addi %mul3A_2, %min3A_417 : i32
      %dma_wait3A_419 = arith.constant 0 : i32
      %dma_wait3A_420 = arith.constant 0 : i32
      %dma_wait3A_421 = arith.constant 0 : i32
      %dma_wait3A_422 = arith.constant 0 : i32
      %dma_wait3A_423 = tpu.memref_slice %arg5[%dma_wait3A_419, %dma_wait3A_421, %dma_wait3A_422] : memref<2x8x128xi32, #tpu.memory_space<vmem>> -> memref<1x8x128xi32, #tpu.memory_space<vmem>>
      %dma_wait3A_424 = tpu.memref_squeeze %dma_wait3A_423 : memref<1x8x128xi32, #tpu.memory_space<vmem>> -> memref<8x128xi32, #tpu.memory_space<vmem>>
      %dma_wait3A_425 = arith.constant 0 : i32
      %dma_wait3A_426 = arith.constant 0 : i32
      %dma_wait3A_427 = tpu.memref_slice %arg2[%add3A_418, %dma_wait3A_425, %dma_wait3A_426] : memref<16384x8x128xi32, #tpu.memory_space<hbm>> -> memref<1x8x128xi32, #tpu.memory_space<hbm>>
      %dma_wait3A_428 = tpu.memref_squeeze %dma_wait3A_427 : memref<1x8x128xi32, #tpu.memory_space<hbm>> -> memref<8x128xi32, #tpu.memory_space<hbm>>
      %dma_wait3A_429 = tpu.memref_slice %arg8[%dma_wait3A_420] : memref<2x!tpu.dma_semaphore, #tpu.memory_space<semaphore_mem>> -> memref<1x!tpu.dma_semaphore, #tpu.memory_space<semaphore_mem>>
      %dma_wait3A_430 = tpu.memref_squeeze %dma_wait3A_429 : memref<1x!tpu.dma_semaphore, #tpu.memory_space<semaphore_mem>> -> memref<!tpu.dma_semaphore, #tpu.memory_space<semaphore_mem>>
      %dma_wait3A_431 = arith.constant 0 : i32
      %dma_wait3A_432 = arith.constant 0 : i32
      %dma_wait3A_433 = tpu.memref_slice %arg5[%dma_wait3A_419, %dma_wait3A_431, %dma_wait3A_432] : memref<2x8x128xi32, #tpu.memory_space<vmem>> -> memref<1x8x128xi32, #tpu.memory_space<vmem>>
      %dma_wait3A_434 = tpu.memref_squeeze %dma_wait3A_433 : memref<1x8x128xi32, #tpu.memory_space<vmem>> -> memref<8x128xi32, #tpu.memory_space<vmem>>
      %dma_wait3A_435 = arith.constant 0 : i32
      %dma_wait3A_436 = arith.constant 0 : i32
      %dma_wait3A_437 = tpu.memref_slice %arg2[%add3A_418, %dma_wait3A_435, %dma_wait3A_436] : memref<16384x8x128xi32, #tpu.memory_space<hbm>> -> memref<1x8x128xi32, #tpu.memory_space<hbm>>
      %dma_wait3A_438 = tpu.memref_squeeze %dma_wait3A_437 : memref<1x8x128xi32, #tpu.memory_space<hbm>> -> memref<8x128xi32, #tpu.memory_space<hbm>>
      tpu.wait_dma2 semaphore(%dma_wait3A_430 : memref<!tpu.dma_semaphore, #tpu.memory_space<semaphore_mem>>) src(%dma_wait3A_438 : memref<8x128xi32, #tpu.memory_space<hbm>>) dst(%dma_wait3A_434 : memref<8x128xi32, #tpu.memory_space<vmem>>)
      %dma_start3A_439 = arith.constant 0 : i32
      %dma_start3A_440 = arith.constant 0 : i32
      %dma_start3A_441 = arith.constant 0 : i32
      %dma_start3A_442 = arith.constant 0 : i32
      %dma_start3A_443 = arith.constant 0 : i32
      %dma_start3A_444 = arith.constant 0 : i32
      %dma_start3A_445 = tpu.memref_slice %arg6[%dma_start3A_441, %dma_start3A_443, %dma_start3A_444] : memref<2x256x128xf32, #tpu.memory_space<vmem>> -> memref<1x128x128xf32, #tpu.memory_space<vmem>>
      %dma_start3A_446 = tpu.memref_squeeze %dma_start3A_445 : memref<1x128x128xf32, #tpu.memory_space<vmem>> -> memref<128x128xf32, #tpu.memory_space<vmem>>
      %dma_start3A_447 = arith.constant 0 : i32
      %dma_start3A_448 = tpu.memref_slice %arg5[%dma_start3A_439, %dma_start3A_440, %dma_start3A_447] : memref<2x8x128xi32, #tpu.memory_space<vmem>> -> memref<1x1x128xi32, #tpu.memory_space<vmem>>
      %dma_start3A_449 = tpu.memref_squeeze %dma_start3A_448 : memref<1x1x128xi32, #tpu.memory_space<vmem>> -> memref<128xi32, #tpu.memory_space<vmem>>
      %dma_start3A_450 = arith.constant 0 : i32
      %dma_start3A_451 = arith.constant 0 : i32
      %dma_start3A_452 = tpu.memref_slice %arg3[%dma_start3A_450, %dma_start3A_451] : memref<8192x128xf32, #tpu.memory_space<hbm>> -> memref<8192x128xf32, #tpu.memory_space<hbm>>
      %dma_start3A_453 = tpu.memref_slice %arg9[%dma_start3A_442] : memref<2x!tpu.dma_semaphore, #tpu.memory_space<semaphore_mem>> -> memref<1x!tpu.dma_semaphore, #tpu.memory_space<semaphore_mem>>
      %dma_start3A_454 = tpu.memref_squeeze %dma_start3A_453 : memref<1x!tpu.dma_semaphore, #tpu.memory_space<semaphore_mem>> -> memref<!tpu.dma_semaphore, #tpu.memory_space<semaphore_mem>>
      tpu.enqueue_indirect_dma source(%dma_start3A_452 : memref<8192x128xf32, #tpu.memory_space<hbm>>) target(%dma_start3A_446 : memref<128x128xf32, #tpu.memory_space<vmem>>) offsets(%dma_start3A_449 : memref<128xi32, #tpu.memory_space<vmem>>) semaphore(%dma_start3A_454 : memref<!tpu.dma_semaphore, #tpu.memory_space<semaphore_mem>>)
      %dma_start3A_455 = arith.constant 0 : i32
      %dma_start3A_456 = arith.constant 1 : i32
      %dma_start3A_457 = arith.constant 0 : i32
      %dma_start3A_458 = arith.constant 0 : i32
      %dma_start3A_459 = arith.constant 128 : i32
      %dma_start3A_460 = arith.constant 0 : i32
      %dma_start3A_461 = tpu.memref_slice %arg6[%dma_start3A_457, %dma_start3A_459, %dma_start3A_460] : memref<2x256x128xf32, #tpu.memory_space<vmem>> -> memref<1x128x128xf32, #tpu.memory_space<vmem>>
      %dma_start3A_462 = tpu.memref_squeeze %dma_start3A_461 : memref<1x128x128xf32, #tpu.memory_space<vmem>> -> memref<128x128xf32, #tpu.memory_space<vmem>>
      %dma_start3A_463 = arith.constant 0 : i32
      %dma_start3A_464 = tpu.memref_slice %arg5[%dma_start3A_455, %dma_start3A_456, %dma_start3A_463] : memref<2x8x128xi32, #tpu.memory_space<vmem>> -> memref<1x1x128xi32, #tpu.memory_space<vmem>>
      %dma_start3A_465 = tpu.memref_squeeze %dma_start3A_464 : memref<1x1x128xi32, #tpu.memory_space<vmem>> -> memref<128xi32, #tpu.memory_space<vmem>>
      %dma_start3A_466 = arith.constant 0 : i32
      %dma_start3A_467 = arith.constant 0 : i32
      %dma_start3A_468 = tpu.memref_slice %arg3[%dma_start3A_466, %dma_start3A_467] : memref<8192x128xf32, #tpu.memory_space<hbm>> -> memref<8192x128xf32, #tpu.memory_space<hbm>>
      %dma_start3A_469 = tpu.memref_slice %arg9[%dma_start3A_458] : memref<2x!tpu.dma_semaphore, #tpu.memory_space<semaphore_mem>> -> memref<1x!tpu.dma_semaphore, #tpu.memory_space<semaphore_mem>>
      %dma_start3A_470 = tpu.memref_squeeze %dma_start3A_469 : memref<1x!tpu.dma_semaphore, #tpu.memory_space<semaphore_mem>> -> memref<!tpu.dma_semaphore, #tpu.memory_space<semaphore_mem>>
      tpu.enqueue_indirect_dma source(%dma_start3A_468 : memref<8192x128xf32, #tpu.memory_space<hbm>>) target(%dma_start3A_462 : memref<128x128xf32, #tpu.memory_space<vmem>>) offsets(%dma_start3A_465 : memref<128xi32, #tpu.memory_space<vmem>>) semaphore(%dma_start3A_470 : memref<!tpu.dma_semaphore, #tpu.memory_space<semaphore_mem>>)
      %ge3A_471 = arith.constant 1 : i32
      %ge3A_472 = arith.cmpi sge, %scan3A_205, %ge3A_471 : i32
      %convert_element_type3A_473 = arith.extui %ge3A_472 : i1 to i32
      %cond3A_474 = arith.constant 0 : i32
      %cond3A_475 = arith.cmpi ne, %convert_element_type3A_473, %cond3A_474 : i32
      scf.if %cond3A_475 {
        %dma_wait3A_503 = arith.constant 1 : i32
        %dma_wait3A_504 = arith.constant 1 : i32
        %dma_wait3A_505 = arith.constant 0 : i32
        %dma_wait3A_506 = arith.constant 0 : i32
        %dma_wait3A_507 = arith.constant 0 : i32
        %dma_wait3A_508 = tpu.memref_slice %arg7[%dma_wait3A_503, %dma_wait3A_505, %dma_wait3A_506, %dma_wait3A_507] : memref<2x1x200x64xf32, #tpu.memory_space<vmem>> -> memref<1x1x200x64xf32, #tpu.memory_space<vmem>>
        %dma_wait3A_509 = tpu.memref_squeeze %dma_wait3A_508 : memref<1x1x200x64xf32, #tpu.memory_space<vmem>> -> memref<1x200x64xf32, #tpu.memory_space<vmem>>
        %dma_wait3A_510 = arith.constant 0 : i32
        %dma_wait3A_511 = arith.constant 0 : i32
        %dma_wait3A_512 = tpu.memref_slice %arg4[%mul3A_2, %dma_wait3A_510, %dma_wait3A_511] : memref<16384x200x64xf32, #tpu.memory_space<hbm>> -> memref<1x200x64xf32, #tpu.memory_space<hbm>>
        %dma_wait3A_513 = tpu.memref_slice %arg10[%dma_wait3A_504] : memref<2x!tpu.dma_semaphore, #tpu.memory_space<semaphore_mem>> -> memref<1x!tpu.dma_semaphore, #tpu.memory_space<semaphore_mem>>
        %dma_wait3A_514 = tpu.memref_squeeze %dma_wait3A_513 : memref<1x!tpu.dma_semaphore, #tpu.memory_space<semaphore_mem>> -> memref<!tpu.dma_semaphore, #tpu.memory_space<semaphore_mem>>
        %dma_wait3A_515 = arith.constant 0 : i32
        %dma_wait3A_516 = arith.constant 0 : i32
        %dma_wait3A_517 = tpu.memref_slice %arg4[%mul3A_2, %dma_wait3A_515, %dma_wait3A_516] : memref<16384x200x64xf32, #tpu.memory_space<hbm>> -> memref<1x200x64xf32, #tpu.memory_space<hbm>>
        %dma_wait3A_518 = arith.constant 0 : i32
        %dma_wait3A_519 = arith.constant 0 : i32
        %dma_wait3A_520 = arith.constant 0 : i32
        %dma_wait3A_521 = tpu.memref_slice %arg7[%dma_wait3A_503, %dma_wait3A_518, %dma_wait3A_519, %dma_wait3A_520] : memref<2x1x200x64xf32, #tpu.memory_space<vmem>> -> memref<1x1x200x64xf32, #tpu.memory_space<vmem>>
        %dma_wait3A_522 = tpu.memref_squeeze %dma_wait3A_521 : memref<1x1x200x64xf32, #tpu.memory_space<vmem>> -> memref<1x200x64xf32, #tpu.memory_space<vmem>>
        tpu.wait_dma2 semaphore(%dma_wait3A_514 : memref<!tpu.dma_semaphore, #tpu.memory_space<semaphore_mem>>) src(%dma_wait3A_522 : memref<1x200x64xf32, #tpu.memory_space<vmem>>) dst(%dma_wait3A_517 : memref<1x200x64xf32, #tpu.memory_space<hbm>>)
      } else {
      }
      %scan3A_476 = arith.constant 0 : i32
      %scan3A_477 = arith.constant 0 : i32
      %scan3A_478 = arith.constant 50 : i32
      %scan3A_479 = arith.addi %scan3A_477, %scan3A_478 : i32
      %scan3A_480 = arith.constant 1 : i32
      scf.for %scan3A_503 = %scan3A_477 to %scan3A_479 step %scan3A_480  : i32 {
        %mul3A_504 = arith.constant 4 : i32
        %mul3A_505 = arith.muli %scan3A_503, %mul3A_504 : i32
        %add3A_506 = arith.constant 0 : i32
        %add3A_507 = arith.addi %mul3A_505, %add3A_506 : i32
        %get3A = arith.constant 1 : i32
        %get3A_508 = arith.constant 0 : i32
        %get3A_509 = arith.constant 0 : i32
        %get3A_510 = tpu.memref_slice %arg6[%get3A, %get3A_508, %get3A_509] : memref<2x256x128xf32, #tpu.memory_space<vmem>> -> memref<1x256x128xf32, #tpu.memory_space<vmem>>
        %get3A_511 = tpu.memref_squeeze %get3A_510 : memref<1x256x128xf32, #tpu.memory_space<vmem>> -> memref<256x128xf32, #tpu.memory_space<vmem>>
        %get3A_512 = arith.index_cast %add3A_507 : i32 to index
        %get3A_513 = arith.constant 0 : index
        %get3A_514 = tpu.vector_load %get3A_511[%get3A_512, %get3A_513] {strides = array<i32>} : memref<256x128xf32, #tpu.memory_space<vmem>>, vector<1x16xf32>,
        %get3A_515 = vector.shape_cast %get3A_514 : vector<1x16xf32> to vector<16xf32>
        %mul3A_516 = arith.constant 4 : i32
        %mul3A_517 = arith.muli %scan3A_503, %mul3A_516 : i32
        %add3A_518 = arith.constant 0 : i32
        %add3A_519 = arith.addi %mul3A_517, %add3A_518 : i32
        %swap3A = arith.constant 1 : i32
        %swap3A_520 = arith.constant 0 : i32
        %swap3A_521 = arith.constant 0 : i32
        %swap3A_522 = arith.constant 0 : i32
        %swap3A_523 = tpu.memref_slice %arg7[%swap3A, %swap3A_520, %swap3A_521, %swap3A_522] : memref<2x1x200x64xf32, #tpu.memory_space<vmem>> -> memref<1x1x200x64xf32, #tpu.memory_space<vmem>>
        %swap3A_524 = tpu.memref_squeeze %swap3A_523 : memref<1x1x200x64xf32, #tpu.memory_space<vmem>> -> memref<200x64xf32, #tpu.memory_space<vmem>>
        %swap3A_525 = arith.index_cast %add3A_519 : i32 to index
        %swap3A_526 = arith.constant 0 : index
        %swap3A_527 = tpu.vector_load %swap3A_524[%swap3A_525, %swap3A_526] {strides = array<i32>} : memref<200x64xf32, #tpu.memory_space<vmem>>, vector<1x16xf32>,
        %swap3A_528 = vector.shape_cast %swap3A_527 : vector<1x16xf32> to vector<16xf32>
        %swap3A_529 = vector.shape_cast %get3A_515 : vector<16xf32> to vector<1x16xf32>
        tpu.vector_store %swap3A_524[%swap3A_525, %swap3A_526], %swap3A_529 {strides = array<i32>} : memref<200x64xf32, #tpu.memory_space<vmem>>, vector<1x16xf32>,
        %mul3A_530 = arith.constant 4 : i32
        %mul3A_531 = arith.muli %scan3A_503, %mul3A_530 : i32
        %add3A_532 = arith.constant 0 : i32
        %add3A_533 = arith.addi %mul3A_531, %add3A_532 : i32
        %get3A_534 = arith.constant 1 : i32
        %get3A_535 = arith.constant 0 : i32
        %get3A_536 = arith.constant 0 : i32
        %get3A_537 = tpu.memref_slice %arg6[%get3A_534, %get3A_535, %get3A_536] : memref<2x256x128xf32, #tpu.memory_space<vmem>> -> memref<1x256x128xf32, #tpu.memory_space<vmem>>
        %get3A_538 = tpu.memref_squeeze %get3A_537 : memref<1x256x128xf32, #tpu.memory_space<vmem>> -> memref<256x128xf32, #tpu.memory_space<vmem>>
        %get3A_539 = arith.index_cast %add3A_533 : i32 to index
        %get3A_540 = arith.constant 16 : index
        %get3A_541 = tpu.vector_load %get3A_538[%get3A_539, %get3A_540] {strides = array<i32>} : memref<256x128xf32, #tpu.memory_space<vmem>>, vector<1x16xf32>,
        %get3A_542 = vector.shape_cast %get3A_541 : vector<1x16xf32> to vector<16xf32>
        %mul3A_543 = arith.constant 4 : i32
        %mul3A_544 = arith.muli %scan3A_503, %mul3A_543 : i32
        %add3A_545 = arith.constant 0 : i32
        %add3A_546 = arith.addi %mul3A_544, %add3A_545 : i32
        %swap3A_547 = arith.constant 1 : i32
        %swap3A_548 = arith.constant 0 : i32
        %swap3A_549 = arith.constant 0 : i32
        %swap3A_550 = arith.constant 0 : i32
        %swap3A_551 = tpu.memref_slice %arg7[%swap3A_547, %swap3A_548, %swap3A_549, %swap3A_550] : memref<2x1x200x64xf32, #tpu.memory_space<vmem>> -> memref<1x1x200x64xf32, #tpu.memory_space<vmem>>
        %swap3A_552 = tpu.memref_squeeze %swap3A_551 : memref<1x1x200x64xf32, #tpu.memory_space<vmem>> -> memref<200x64xf32, #tpu.memory_space<vmem>>
        %swap3A_553 = arith.index_cast %add3A_546 : i32 to index
        %swap3A_554 = arith.constant 16 : index
        %swap3A_555 = tpu.vector_load %swap3A_552[%swap3A_553, %swap3A_554] {strides = array<i32>} : memref<200x64xf32, #tpu.memory_space<vmem>>, vector<1x16xf32>,
        %swap3A_556 = vector.shape_cast %swap3A_555 : vector<1x16xf32> to vector<16xf32>
        %swap3A_557 = vector.shape_cast %get3A_542 : vector<16xf32> to vector<1x16xf32>
        tpu.vector_store %swap3A_552[%swap3A_553, %swap3A_554], %swap3A_557 {strides = array<i32>} : memref<200x64xf32, #tpu.memory_space<vmem>>, vector<1x16xf32>,
        %mul3A_558 = arith.constant 4 : i32
        %mul3A_559 = arith.muli %scan3A_503, %mul3A_558 : i32
        %add3A_560 = arith.constant 0 : i32
        %add3A_561 = arith.addi %mul3A_559, %add3A_560 : i32
        %get3A_562 = arith.constant 1 : i32
        %get3A_563 = arith.constant 0 : i32
        %get3A_564 = arith.constant 0 : i32
        %get3A_565 = tpu.memref_slice %arg6[%get3A_562, %get3A_563, %get3A_564] : memref<2x256x128xf32, #tpu.memory_space<vmem>> -> memref<1x256x128xf32, #tpu.memory_space<vmem>>
        %get3A_566 = tpu.memref_squeeze %get3A_565 : memref<1x256x128xf32, #tpu.memory_space<vmem>> -> memref<256x128xf32, #tpu.memory_space<vmem>>
        %get3A_567 = arith.index_cast %add3A_561 : i32 to index
        %get3A_568 = arith.constant 32 : index
        %get3A_569 = tpu.vector_load %get3A_566[%get3A_567, %get3A_568] {strides = array<i32>} : memref<256x128xf32, #tpu.memory_space<vmem>>, vector<1x16xf32>,
        %get3A_570 = vector.shape_cast %get3A_569 : vector<1x16xf32> to vector<16xf32>
        %mul3A_571 = arith.constant 4 : i32
        %mul3A_572 = arith.muli %scan3A_503, %mul3A_571 : i32
        %add3A_573 = arith.constant 0 : i32
        %add3A_574 = arith.addi %mul3A_572, %add3A_573 : i32
        %swap3A_575 = arith.constant 1 : i32
        %swap3A_576 = arith.constant 0 : i32
        %swap3A_577 = arith.constant 0 : i32
        %swap3A_578 = arith.constant 0 : i32
        %swap3A_579 = tpu.memref_slice %arg7[%swap3A_575, %swap3A_576, %swap3A_577, %swap3A_578] : memref<2x1x200x64xf32, #tpu.memory_space<vmem>> -> memref<1x1x200x64xf32, #tpu.memory_space<vmem>>
        %swap3A_580 = tpu.memref_squeeze %swap3A_579 : memref<1x1x200x64xf32, #tpu.memory_space<vmem>> -> memref<200x64xf32, #tpu.memory_space<vmem>>
        %swap3A_581 = arith.index_cast %add3A_574 : i32 to index
        %swap3A_582 = arith.constant 32 : index
        %swap3A_583 = tpu.vector_load %swap3A_580[%swap3A_581, %swap3A_582] {strides = array<i32>} : memref<200x64xf32, #tpu.memory_space<vmem>>, vector<1x16xf32>,
        %swap3A_584 = vector.shape_cast %swap3A_583 : vector<1x16xf32> to vector<16xf32>
        %swap3A_585 = vector.shape_cast %get3A_570 : vector<16xf32> to vector<1x16xf32>
        tpu.vector_store %swap3A_580[%swap3A_581, %swap3A_582], %swap3A_585 {strides = array<i32>} : memref<200x64xf32, #tpu.memory_space<vmem>>, vector<1x16xf32>,
        %mul3A_586 = arith.constant 4 : i32
        %mul3A_587 = arith.muli %scan3A_503, %mul3A_586 : i32
        %add3A_588 = arith.constant 0 : i32
        %add3A_589 = arith.addi %mul3A_587, %add3A_588 : i32
        %get3A_590 = arith.constant 1 : i32
        %get3A_591 = arith.constant 0 : i32
        %get3A_592 = arith.constant 0 : i32
        %get3A_593 = tpu.memref_slice %arg6[%get3A_590, %get3A_591, %get3A_592] : memref<2x256x128xf32, #tpu.memory_space<vmem>> -> memref<1x256x128xf32, #tpu.memory_space<vmem>>
        %get3A_594 = tpu.memref_squeeze %get3A_593 : memref<1x256x128xf32, #tpu.memory_space<vmem>> -> memref<256x128xf32, #tpu.memory_space<vmem>>
        %get3A_595 = arith.index_cast %add3A_589 : i32 to index
        %get3A_596 = arith.constant 48 : index
        %get3A_597 = tpu.vector_load %get3A_594[%get3A_595, %get3A_596] {strides = array<i32>} : memref<256x128xf32, #tpu.memory_space<vmem>>, vector<1x16xf32>,
        %get3A_598 = vector.shape_cast %get3A_597 : vector<1x16xf32> to vector<16xf32>
        %mul3A_599 = arith.constant 4 : i32
        %mul3A_600 = arith.muli %scan3A_503, %mul3A_599 : i32
        %add3A_601 = arith.constant 0 : i32
        %add3A_602 = arith.addi %mul3A_600, %add3A_601 : i32
        %swap3A_603 = arith.constant 1 : i32
        %swap3A_604 = arith.constant 0 : i32
        %swap3A_605 = arith.constant 0 : i32
        %swap3A_606 = arith.constant 0 : i32
        %swap3A_607 = tpu.memref_slice %arg7[%swap3A_603, %swap3A_604, %swap3A_605, %swap3A_606] : memref<2x1x200x64xf32, #tpu.memory_space<vmem>> -> memref<1x1x200x64xf32, #tpu.memory_space<vmem>>
        %swap3A_608 = tpu.memref_squeeze %swap3A_607 : memref<1x1x200x64xf32, #tpu.memory_space<vmem>> -> memref<200x64xf32, #tpu.memory_space<vmem>>
        %swap3A_609 = arith.index_cast %add3A_602 : i32 to index
        %swap3A_610 = arith.constant 48 : index
        %swap3A_611 = tpu.vector_load %swap3A_608[%swap3A_609, %swap3A_610] {strides = array<i32>} : memref<200x64xf32, #tpu.memory_space<vmem>>, vector<1x16xf32>,
        %swap3A_612 = vector.shape_cast %swap3A_611 : vector<1x16xf32> to vector<16xf32>
        %swap3A_613 = vector.shape_cast %get3A_598 : vector<16xf32> to vector<1x16xf32>
        tpu.vector_store %swap3A_608[%swap3A_609, %swap3A_610], %swap3A_613 {strides = array<i32>} : memref<200x64xf32, #tpu.memory_space<vmem>>, vector<1x16xf32>,
        %mul3A_614 = arith.constant 4 : i32
        %mul3A_615 = arith.muli %scan3A_503, %mul3A_614 : i32
        %add3A_616 = arith.constant 1 : i32
        %add3A_617 = arith.addi %mul3A_615, %add3A_616 : i32
        %get3A_618 = arith.constant 1 : i32
        %get3A_619 = arith.constant 0 : i32
        %get3A_620 = arith.constant 0 : i32
        %get3A_621 = tpu.memref_slice %arg6[%get3A_618, %get3A_619, %get3A_620] : memref<2x256x128xf32, #tpu.memory_space<vmem>> -> memref<1x256x128xf32, #tpu.memory_space<vmem>>
        %get3A_622 = tpu.memref_squeeze %get3A_621 : memref<1x256x128xf32, #tpu.memory_space<vmem>> -> memref<256x128xf32, #tpu.memory_space<vmem>>
        %get3A_623 = arith.index_cast %add3A_617 : i32 to index
        %get3A_624 = arith.constant 0 : index
        %get3A_625 = tpu.vector_load %get3A_622[%get3A_623, %get3A_624] {strides = array<i32>} : memref<256x128xf32, #tpu.memory_space<vmem>>, vector<1x16xf32>,
        %get3A_626 = vector.shape_cast %get3A_625 : vector<1x16xf32> to vector<16xf32>
        %mul3A_627 = arith.constant 4 : i32
        %mul3A_628 = arith.muli %scan3A_503, %mul3A_627 : i32
        %add3A_629 = arith.constant 1 : i32
        %add3A_630 = arith.addi %mul3A_628, %add3A_629 : i32
        %swap3A_631 = arith.constant 1 : i32
        %swap3A_632 = arith.constant 0 : i32
        %swap3A_633 = arith.constant 0 : i32
        %swap3A_634 = arith.constant 0 : i32
        %swap3A_635 = tpu.memref_slice %arg7[%swap3A_631, %swap3A_632, %swap3A_633, %swap3A_634] : memref<2x1x200x64xf32, #tpu.memory_space<vmem>> -> memref<1x1x200x64xf32, #tpu.memory_space<vmem>>
        %swap3A_636 = tpu.memref_squeeze %swap3A_635 : memref<1x1x200x64xf32, #tpu.memory_space<vmem>> -> memref<200x64xf32, #tpu.memory_space<vmem>>
        %swap3A_637 = arith.index_cast %add3A_630 : i32 to index
        %swap3A_638 = arith.constant 0 : index
        %swap3A_639 = tpu.vector_load %swap3A_636[%swap3A_637, %swap3A_638] {strides = array<i32>} : memref<200x64xf32, #tpu.memory_space<vmem>>, vector<1x16xf32>,
        %swap3A_640 = vector.shape_cast %swap3A_639 : vector<1x16xf32> to vector<16xf32>
        %swap3A_641 = vector.shape_cast %get3A_626 : vector<16xf32> to vector<1x16xf32>
        tpu.vector_store %swap3A_636[%swap3A_637, %swap3A_638], %swap3A_641 {strides = array<i32>} : memref<200x64xf32, #tpu.memory_space<vmem>>, vector<1x16xf32>,
        %mul3A_642 = arith.constant 4 : i32
        %mul3A_643 = arith.muli %scan3A_503, %mul3A_642 : i32
        %add3A_644 = arith.constant 1 : i32
        %add3A_645 = arith.addi %mul3A_643, %add3A_644 : i32
        %get3A_646 = arith.constant 1 : i32
        %get3A_647 = arith.constant 0 : i32
        %get3A_648 = arith.constant 0 : i32
        %get3A_649 = tpu.memref_slice %arg6[%get3A_646, %get3A_647, %get3A_648] : memref<2x256x128xf32, #tpu.memory_space<vmem>> -> memref<1x256x128xf32, #tpu.memory_space<vmem>>
        %get3A_650 = tpu.memref_squeeze %get3A_649 : memref<1x256x128xf32, #tpu.memory_space<vmem>> -> memref<256x128xf32, #tpu.memory_space<vmem>>
        %get3A_651 = arith.index_cast %add3A_645 : i32 to index
        %get3A_652 = arith.constant 16 : index
        %get3A_653 = tpu.vector_load %get3A_650[%get3A_651, %get3A_652] {strides = array<i32>} : memref<256x128xf32, #tpu.memory_space<vmem>>, vector<1x16xf32>,
        %get3A_654 = vector.shape_cast %get3A_653 : vector<1x16xf32> to vector<16xf32>
        %mul3A_655 = arith.constant 4 : i32
        %mul3A_656 = arith.muli %scan3A_503, %mul3A_655 : i32
        %add3A_657 = arith.constant 1 : i32
        %add3A_658 = arith.addi %mul3A_656, %add3A_657 : i32
        %swap3A_659 = arith.constant 1 : i32
        %swap3A_660 = arith.constant 0 : i32
        %swap3A_661 = arith.constant 0 : i32
        %swap3A_662 = arith.constant 0 : i32
        %swap3A_663 = tpu.memref_slice %arg7[%swap3A_659, %swap3A_660, %swap3A_661, %swap3A_662] : memref<2x1x200x64xf32, #tpu.memory_space<vmem>> -> memref<1x1x200x64xf32, #tpu.memory_space<vmem>>
        %swap3A_664 = tpu.memref_squeeze %swap3A_663 : memref<1x1x200x64xf32, #tpu.memory_space<vmem>> -> memref<200x64xf32, #tpu.memory_space<vmem>>
        %swap3A_665 = arith.index_cast %add3A_658 : i32 to index
        %swap3A_666 = arith.constant 16 : index
        %swap3A_667 = tpu.vector_load %swap3A_664[%swap3A_665, %swap3A_666] {strides = array<i32>} : memref<200x64xf32, #tpu.memory_space<vmem>>, vector<1x16xf32>,
        %swap3A_668 = vector.shape_cast %swap3A_667 : vector<1x16xf32> to vector<16xf32>
        %swap3A_669 = vector.shape_cast %get3A_654 : vector<16xf32> to vector<1x16xf32>
        tpu.vector_store %swap3A_664[%swap3A_665, %swap3A_666], %swap3A_669 {strides = array<i32>} : memref<200x64xf32, #tpu.memory_space<vmem>>, vector<1x16xf32>,
        %mul3A_670 = arith.constant 4 : i32
        %mul3A_671 = arith.muli %scan3A_503, %mul3A_670 : i32
        %add3A_672 = arith.constant 1 : i32
        %add3A_673 = arith.addi %mul3A_671, %add3A_672 : i32
        %get3A_674 = arith.constant 1 : i32
        %get3A_675 = arith.constant 0 : i32
        %get3A_676 = arith.constant 0 : i32
        %get3A_677 = tpu.memref_slice %arg6[%get3A_674, %get3A_675, %get3A_676] : memref<2x256x128xf32, #tpu.memory_space<vmem>> -> memref<1x256x128xf32, #tpu.memory_space<vmem>>
        %get3A_678 = tpu.memref_squeeze %get3A_677 : memref<1x256x128xf32, #tpu.memory_space<vmem>> -> memref<256x128xf32, #tpu.memory_space<vmem>>
        %get3A_679 = arith.index_cast %add3A_673 : i32 to index
        %get3A_680 = arith.constant 32 : index
        %get3A_681 = tpu.vector_load %get3A_678[%get3A_679, %get3A_680] {strides = array<i32>} : memref<256x128xf32, #tpu.memory_space<vmem>>, vector<1x16xf32>,
        %get3A_682 = vector.shape_cast %get3A_681 : vector<1x16xf32> to vector<16xf32>
        %mul3A_683 = arith.constant 4 : i32
        %mul3A_684 = arith.muli %scan3A_503, %mul3A_683 : i32
        %add3A_685 = arith.constant 1 : i32
        %add3A_686 = arith.addi %mul3A_684, %add3A_685 : i32
        %swap3A_687 = arith.constant 1 : i32
        %swap3A_688 = arith.constant 0 : i32
        %swap3A_689 = arith.constant 0 : i32
        %swap3A_690 = arith.constant 0 : i32
        %swap3A_691 = tpu.memref_slice %arg7[%swap3A_687, %swap3A_688, %swap3A_689, %swap3A_690] : memref<2x1x200x64xf32, #tpu.memory_space<vmem>> -> memref<1x1x200x64xf32, #tpu.memory_space<vmem>>
        %swap3A_692 = tpu.memref_squeeze %swap3A_691 : memref<1x1x200x64xf32, #tpu.memory_space<vmem>> -> memref<200x64xf32, #tpu.memory_space<vmem>>
        %swap3A_693 = arith.index_cast %add3A_686 : i32 to index
        %swap3A_694 = arith.constant 32 : index
        %swap3A_695 = tpu.vector_load %swap3A_692[%swap3A_693, %swap3A_694] {strides = array<i32>} : memref<200x64xf32, #tpu.memory_space<vmem>>, vector<1x16xf32>,
        %swap3A_696 = vector.shape_cast %swap3A_695 : vector<1x16xf32> to vector<16xf32>
        %swap3A_697 = vector.shape_cast %get3A_682 : vector<16xf32> to vector<1x16xf32>
        tpu.vector_store %swap3A_692[%swap3A_693, %swap3A_694], %swap3A_697 {strides = array<i32>} : memref<200x64xf32, #tpu.memory_space<vmem>>, vector<1x16xf32>,
        %mul3A_698 = arith.constant 4 : i32
        %mul3A_699 = arith.muli %scan3A_503, %mul3A_698 : i32
        %add3A_700 = arith.constant 1 : i32
        %add3A_701 = arith.addi %mul3A_699, %add3A_700 : i32
        %get3A_702 = arith.constant 1 : i32
        %get3A_703 = arith.constant 0 : i32
        %get3A_704 = arith.constant 0 : i32
        %get3A_705 = tpu.memref_slice %arg6[%get3A_702, %get3A_703, %get3A_704] : memref<2x256x128xf32, #tpu.memory_space<vmem>> -> memref<1x256x128xf32, #tpu.memory_space<vmem>>
        %get3A_706 = tpu.memref_squeeze %get3A_705 : memref<1x256x128xf32, #tpu.memory_space<vmem>> -> memref<256x128xf32, #tpu.memory_space<vmem>>
        %get3A_707 = arith.index_cast %add3A_701 : i32 to index
        %get3A_708 = arith.constant 48 : index
        %get3A_709 = tpu.vector_load %get3A_706[%get3A_707, %get3A_708] {strides = array<i32>} : memref<256x128xf32, #tpu.memory_space<vmem>>, vector<1x16xf32>,
        %get3A_710 = vector.shape_cast %get3A_709 : vector<1x16xf32> to vector<16xf32>
        %mul3A_711 = arith.constant 4 : i32
        %mul3A_712 = arith.muli %scan3A_503, %mul3A_711 : i32
        %add3A_713 = arith.constant 1 : i32
        %add3A_714 = arith.addi %mul3A_712, %add3A_713 : i32
        %swap3A_715 = arith.constant 1 : i32
        %swap3A_716 = arith.constant 0 : i32
        %swap3A_717 = arith.constant 0 : i32
        %swap3A_718 = arith.constant 0 : i32
        %swap3A_719 = tpu.memref_slice %arg7[%swap3A_715, %swap3A_716, %swap3A_717, %swap3A_718] : memref<2x1x200x64xf32, #tpu.memory_space<vmem>> -> memref<1x1x200x64xf32, #tpu.memory_space<vmem>>
        %swap3A_720 = tpu.memref_squeeze %swap3A_719 : memref<1x1x200x64xf32, #tpu.memory_space<vmem>> -> memref<200x64xf32, #tpu.memory_space<vmem>>
        %swap3A_721 = arith.index_cast %add3A_714 : i32 to index
        %swap3A_722 = arith.constant 48 : index
        %swap3A_723 = tpu.vector_load %swap3A_720[%swap3A_721, %swap3A_722] {strides = array<i32>} : memref<200x64xf32, #tpu.memory_space<vmem>>, vector<1x16xf32>,
        %swap3A_724 = vector.shape_cast %swap3A_723 : vector<1x16xf32> to vector<16xf32>
        %swap3A_725 = vector.shape_cast %get3A_710 : vector<16xf32> to vector<1x16xf32>
        tpu.vector_store %swap3A_720[%swap3A_721, %swap3A_722], %swap3A_725 {strides = array<i32>} : memref<200x64xf32, #tpu.memory_space<vmem>>, vector<1x16xf32>,
        %mul3A_726 = arith.constant 4 : i32
        %mul3A_727 = arith.muli %scan3A_503, %mul3A_726 : i32
        %add3A_728 = arith.constant 2 : i32
        %add3A_729 = arith.addi %mul3A_727, %add3A_728 : i32
        %get3A_730 = arith.constant 1 : i32
        %get3A_731 = arith.constant 0 : i32
        %get3A_732 = arith.constant 0 : i32
        %get3A_733 = tpu.memref_slice %arg6[%get3A_730, %get3A_731, %get3A_732] : memref<2x256x128xf32, #tpu.memory_space<vmem>> -> memref<1x256x128xf32, #tpu.memory_space<vmem>>
        %get3A_734 = tpu.memref_squeeze %get3A_733 : memref<1x256x128xf32, #tpu.memory_space<vmem>> -> memref<256x128xf32, #tpu.memory_space<vmem>>
        %get3A_735 = arith.index_cast %add3A_729 : i32 to index
        %get3A_736 = arith.constant 0 : index
        %get3A_737 = tpu.vector_load %get3A_734[%get3A_735, %get3A_736] {strides = array<i32>} : memref<256x128xf32, #tpu.memory_space<vmem>>, vector<1x16xf32>,
        %get3A_738 = vector.shape_cast %get3A_737 : vector<1x16xf32> to vector<16xf32>
        %mul3A_739 = arith.constant 4 : i32
        %mul3A_740 = arith.muli %scan3A_503, %mul3A_739 : i32
        %add3A_741 = arith.constant 2 : i32
        %add3A_742 = arith.addi %mul3A_740, %add3A_741 : i32
        %swap3A_743 = arith.constant 1 : i32
        %swap3A_744 = arith.constant 0 : i32
        %swap3A_745 = arith.constant 0 : i32
        %swap3A_746 = arith.constant 0 : i32
        %swap3A_747 = tpu.memref_slice %arg7[%swap3A_743, %swap3A_744, %swap3A_745, %swap3A_746] : memref<2x1x200x64xf32, #tpu.memory_space<vmem>> -> memref<1x1x200x64xf32, #tpu.memory_space<vmem>>
        %swap3A_748 = tpu.memref_squeeze %swap3A_747 : memref<1x1x200x64xf32, #tpu.memory_space<vmem>> -> memref<200x64xf32, #tpu.memory_space<vmem>>
        %swap3A_749 = arith.index_cast %add3A_742 : i32 to index
        %swap3A_750 = arith.constant 0 : index
        %swap3A_751 = tpu.vector_load %swap3A_748[%swap3A_749, %swap3A_750] {strides = array<i32>} : memref<200x64xf32, #tpu.memory_space<vmem>>, vector<1x16xf32>,
        %swap3A_752 = vector.shape_cast %swap3A_751 : vector<1x16xf32> to vector<16xf32>
        %swap3A_753 = vector.shape_cast %get3A_738 : vector<16xf32> to vector<1x16xf32>
        tpu.vector_store %swap3A_748[%swap3A_749, %swap3A_750], %swap3A_753 {strides = array<i32>} : memref<200x64xf32, #tpu.memory_space<vmem>>, vector<1x16xf32>,
        %mul3A_754 = arith.constant 4 : i32
        %mul3A_755 = arith.muli %scan3A_503, %mul3A_754 : i32
        %add3A_756 = arith.constant 2 : i32
        %add3A_757 = arith.addi %mul3A_755, %add3A_756 : i32
        %get3A_758 = arith.constant 1 : i32
        %get3A_759 = arith.constant 0 : i32
        %get3A_760 = arith.constant 0 : i32
        %get3A_761 = tpu.memref_slice %arg6[%get3A_758, %get3A_759, %get3A_760] : memref<2x256x128xf32, #tpu.memory_space<vmem>> -> memref<1x256x128xf32, #tpu.memory_space<vmem>>
        %get3A_762 = tpu.memref_squeeze %get3A_761 : memref<1x256x128xf32, #tpu.memory_space<vmem>> -> memref<256x128xf32, #tpu.memory_space<vmem>>
        %get3A_763 = arith.index_cast %add3A_757 : i32 to index
        %get3A_764 = arith.constant 16 : index
        %get3A_765 = tpu.vector_load %get3A_762[%get3A_763, %get3A_764] {strides = array<i32>} : memref<256x128xf32, #tpu.memory_space<vmem>>, vector<1x16xf32>,
        %get3A_766 = vector.shape_cast %get3A_765 : vector<1x16xf32> to vector<16xf32>
        %mul3A_767 = arith.constant 4 : i32
        %mul3A_768 = arith.muli %scan3A_503, %mul3A_767 : i32
        %add3A_769 = arith.constant 2 : i32
        %add3A_770 = arith.addi %mul3A_768, %add3A_769 : i32
        %swap3A_771 = arith.constant 1 : i32
        %swap3A_772 = arith.constant 0 : i32
        %swap3A_773 = arith.constant 0 : i32
        %swap3A_774 = arith.constant 0 : i32
        %swap3A_775 = tpu.memref_slice %arg7[%swap3A_771, %swap3A_772, %swap3A_773, %swap3A_774] : memref<2x1x200x64xf32, #tpu.memory_space<vmem>> -> memref<1x1x200x64xf32, #tpu.memory_space<vmem>>
        %swap3A_776 = tpu.memref_squeeze %swap3A_775 : memref<1x1x200x64xf32, #tpu.memory_space<vmem>> -> memref<200x64xf32, #tpu.memory_space<vmem>>
        %swap3A_777 = arith.index_cast %add3A_770 : i32 to index
        %swap3A_778 = arith.constant 16 : index
        %swap3A_779 = tpu.vector_load %swap3A_776[%swap3A_777, %swap3A_778] {strides = array<i32>} : memref<200x64xf32, #tpu.memory_space<vmem>>, vector<1x16xf32>,
        %swap3A_780 = vector.shape_cast %swap3A_779 : vector<1x16xf32> to vector<16xf32>
        %swap3A_781 = vector.shape_cast %get3A_766 : vector<16xf32> to vector<1x16xf32>
        tpu.vector_store %swap3A_776[%swap3A_777, %swap3A_778], %swap3A_781 {strides = array<i32>} : memref<200x64xf32, #tpu.memory_space<vmem>>, vector<1x16xf32>,
        %mul3A_782 = arith.constant 4 : i32
        %mul3A_783 = arith.muli %scan3A_503, %mul3A_782 : i32
        %add3A_784 = arith.constant 2 : i32
        %add3A_785 = arith.addi %mul3A_783, %add3A_784 : i32
        %get3A_786 = arith.constant 1 : i32
        %get3A_787 = arith.constant 0 : i32
        %get3A_788 = arith.constant 0 : i32
        %get3A_789 = tpu.memref_slice %arg6[%get3A_786, %get3A_787, %get3A_788] : memref<2x256x128xf32, #tpu.memory_space<vmem>> -> memref<1x256x128xf32, #tpu.memory_space<vmem>>
        %get3A_790 = tpu.memref_squeeze %get3A_789 : memref<1x256x128xf32, #tpu.memory_space<vmem>> -> memref<256x128xf32, #tpu.memory_space<vmem>>
        %get3A_791 = arith.index_cast %add3A_785 : i32 to index
        %get3A_792 = arith.constant 32 : index
        %get3A_793 = tpu.vector_load %get3A_790[%get3A_791, %get3A_792] {strides = array<i32>} : memref<256x128xf32, #tpu.memory_space<vmem>>, vector<1x16xf32>,
        %get3A_794 = vector.shape_cast %get3A_793 : vector<1x16xf32> to vector<16xf32>
        %mul3A_795 = arith.constant 4 : i32
        %mul3A_796 = arith.muli %scan3A_503, %mul3A_795 : i32
        %add3A_797 = arith.constant 2 : i32
        %add3A_798 = arith.addi %mul3A_796, %add3A_797 : i32
        %swap3A_799 = arith.constant 1 : i32
        %swap3A_800 = arith.constant 0 : i32
        %swap3A_801 = arith.constant 0 : i32
        %swap3A_802 = arith.constant 0 : i32
        %swap3A_803 = tpu.memref_slice %arg7[%swap3A_799, %swap3A_800, %swap3A_801, %swap3A_802] : memref<2x1x200x64xf32, #tpu.memory_space<vmem>> -> memref<1x1x200x64xf32, #tpu.memory_space<vmem>>
        %swap3A_804 = tpu.memref_squeeze %swap3A_803 : memref<1x1x200x64xf32, #tpu.memory_space<vmem>> -> memref<200x64xf32, #tpu.memory_space<vmem>>
        %swap3A_805 = arith.index_cast %add3A_798 : i32 to index
        %swap3A_806 = arith.constant 32 : index
        %swap3A_807 = tpu.vector_load %swap3A_804[%swap3A_805, %swap3A_806] {strides = array<i32>} : memref<200x64xf32, #tpu.memory_space<vmem>>, vector<1x16xf32>,
        %swap3A_808 = vector.shape_cast %swap3A_807 : vector<1x16xf32> to vector<16xf32>
        %swap3A_809 = vector.shape_cast %get3A_794 : vector<16xf32> to vector<1x16xf32>
        tpu.vector_store %swap3A_804[%swap3A_805, %swap3A_806], %swap3A_809 {strides = array<i32>} : memref<200x64xf32, #tpu.memory_space<vmem>>, vector<1x16xf32>,
        %mul3A_810 = arith.constant 4 : i32
        %mul3A_811 = arith.muli %scan3A_503, %mul3A_810 : i32
        %add3A_812 = arith.constant 2 : i32
        %add3A_813 = arith.addi %mul3A_811, %add3A_812 : i32
        %get3A_814 = arith.constant 1 : i32
        %get3A_815 = arith.constant 0 : i32
        %get3A_816 = arith.constant 0 : i32
        %get3A_817 = tpu.memref_slice %arg6[%get3A_814, %get3A_815, %get3A_816] : memref<2x256x128xf32, #tpu.memory_space<vmem>> -> memref<1x256x128xf32, #tpu.memory_space<vmem>>
        %get3A_818 = tpu.memref_squeeze %get3A_817 : memref<1x256x128xf32, #tpu.memory_space<vmem>> -> memref<256x128xf32, #tpu.memory_space<vmem>>
        %get3A_819 = arith.index_cast %add3A_813 : i32 to index
        %get3A_820 = arith.constant 48 : index
        %get3A_821 = tpu.vector_load %get3A_818[%get3A_819, %get3A_820] {strides = array<i32>} : memref<256x128xf32, #tpu.memory_space<vmem>>, vector<1x16xf32>,
        %get3A_822 = vector.shape_cast %get3A_821 : vector<1x16xf32> to vector<16xf32>
        %mul3A_823 = arith.constant 4 : i32
        %mul3A_824 = arith.muli %scan3A_503, %mul3A_823 : i32
        %add3A_825 = arith.constant 2 : i32
        %add3A_826 = arith.addi %mul3A_824, %add3A_825 : i32
        %swap3A_827 = arith.constant 1 : i32
        %swap3A_828 = arith.constant 0 : i32
        %swap3A_829 = arith.constant 0 : i32
        %swap3A_830 = arith.constant 0 : i32
        %swap3A_831 = tpu.memref_slice %arg7[%swap3A_827, %swap3A_828, %swap3A_829, %swap3A_830] : memref<2x1x200x64xf32, #tpu.memory_space<vmem>> -> memref<1x1x200x64xf32, #tpu.memory_space<vmem>>
        %swap3A_832 = tpu.memref_squeeze %swap3A_831 : memref<1x1x200x64xf32, #tpu.memory_space<vmem>> -> memref<200x64xf32, #tpu.memory_space<vmem>>
        %swap3A_833 = arith.index_cast %add3A_826 : i32 to index
        %swap3A_834 = arith.constant 48 : index
        %swap3A_835 = tpu.vector_load %swap3A_832[%swap3A_833, %swap3A_834] {strides = array<i32>} : memref<200x64xf32, #tpu.memory_space<vmem>>, vector<1x16xf32>,
        %swap3A_836 = vector.shape_cast %swap3A_835 : vector<1x16xf32> to vector<16xf32>
        %swap3A_837 = vector.shape_cast %get3A_822 : vector<16xf32> to vector<1x16xf32>
        tpu.vector_store %swap3A_832[%swap3A_833, %swap3A_834], %swap3A_837 {strides = array<i32>} : memref<200x64xf32, #tpu.memory_space<vmem>>, vector<1x16xf32>,
        %mul3A_838 = arith.constant 4 : i32
        %mul3A_839 = arith.muli %scan3A_503, %mul3A_838 : i32
        %add3A_840 = arith.constant 3 : i32
        %add3A_841 = arith.addi %mul3A_839, %add3A_840 : i32
        %get3A_842 = arith.constant 1 : i32
        %get3A_843 = arith.constant 0 : i32
        %get3A_844 = arith.constant 0 : i32
        %get3A_845 = tpu.memref_slice %arg6[%get3A_842, %get3A_843, %get3A_844] : memref<2x256x128xf32, #tpu.memory_space<vmem>> -> memref<1x256x128xf32, #tpu.memory_space<vmem>>
        %get3A_846 = tpu.memref_squeeze %get3A_845 : memref<1x256x128xf32, #tpu.memory_space<vmem>> -> memref<256x128xf32, #tpu.memory_space<vmem>>
        %get3A_847 = arith.index_cast %add3A_841 : i32 to index
        %get3A_848 = arith.constant 0 : index
        %get3A_849 = tpu.vector_load %get3A_846[%get3A_847, %get3A_848] {strides = array<i32>} : memref<256x128xf32, #tpu.memory_space<vmem>>, vector<1x16xf32>,
        %get3A_850 = vector.shape_cast %get3A_849 : vector<1x16xf32> to vector<16xf32>
        %mul3A_851 = arith.constant 4 : i32
        %mul3A_852 = arith.muli %scan3A_503, %mul3A_851 : i32
        %add3A_853 = arith.constant 3 : i32
        %add3A_854 = arith.addi %mul3A_852, %add3A_853 : i32
        %swap3A_855 = arith.constant 1 : i32
        %swap3A_856 = arith.constant 0 : i32
        %swap3A_857 = arith.constant 0 : i32
        %swap3A_858 = arith.constant 0 : i32
        %swap3A_859 = tpu.memref_slice %arg7[%swap3A_855, %swap3A_856, %swap3A_857, %swap3A_858] : memref<2x1x200x64xf32, #tpu.memory_space<vmem>> -> memref<1x1x200x64xf32, #tpu.memory_space<vmem>>
        %swap3A_860 = tpu.memref_squeeze %swap3A_859 : memref<1x1x200x64xf32, #tpu.memory_space<vmem>> -> memref<200x64xf32, #tpu.memory_space<vmem>>
        %swap3A_861 = arith.index_cast %add3A_854 : i32 to index
        %swap3A_862 = arith.constant 0 : index
        %swap3A_863 = tpu.vector_load %swap3A_860[%swap3A_861, %swap3A_862] {strides = array<i32>} : memref<200x64xf32, #tpu.memory_space<vmem>>, vector<1x16xf32>,
        %swap3A_864 = vector.shape_cast %swap3A_863 : vector<1x16xf32> to vector<16xf32>
        %swap3A_865 = vector.shape_cast %get3A_850 : vector<16xf32> to vector<1x16xf32>
        tpu.vector_store %swap3A_860[%swap3A_861, %swap3A_862], %swap3A_865 {strides = array<i32>} : memref<200x64xf32, #tpu.memory_space<vmem>>, vector<1x16xf32>,
        %mul3A_866 = arith.constant 4 : i32
        %mul3A_867 = arith.muli %scan3A_503, %mul3A_866 : i32
        %add3A_868 = arith.constant 3 : i32
        %add3A_869 = arith.addi %mul3A_867, %add3A_868 : i32
        %get3A_870 = arith.constant 1 : i32
        %get3A_871 = arith.constant 0 : i32
        %get3A_872 = arith.constant 0 : i32
        %get3A_873 = tpu.memref_slice %arg6[%get3A_870, %get3A_871, %get3A_872] : memref<2x256x128xf32, #tpu.memory_space<vmem>> -> memref<1x256x128xf32, #tpu.memory_space<vmem>>
        %get3A_874 = tpu.memref_squeeze %get3A_873 : memref<1x256x128xf32, #tpu.memory_space<vmem>> -> memref<256x128xf32, #tpu.memory_space<vmem>>
        %get3A_875 = arith.index_cast %add3A_869 : i32 to index
        %get3A_876 = arith.constant 16 : index
        %get3A_877 = tpu.vector_load %get3A_874[%get3A_875, %get3A_876] {strides = array<i32>} : memref<256x128xf32, #tpu.memory_space<vmem>>, vector<1x16xf32>,
        %get3A_878 = vector.shape_cast %get3A_877 : vector<1x16xf32> to vector<16xf32>
        %mul3A_879 = arith.constant 4 : i32
        %mul3A_880 = arith.muli %scan3A_503, %mul3A_879 : i32
        %add3A_881 = arith.constant 3 : i32
        %add3A_882 = arith.addi %mul3A_880, %add3A_881 : i32
        %swap3A_883 = arith.constant 1 : i32
        %swap3A_884 = arith.constant 0 : i32
        %swap3A_885 = arith.constant 0 : i32
        %swap3A_886 = arith.constant 0 : i32
        %swap3A_887 = tpu.memref_slice %arg7[%swap3A_883, %swap3A_884, %swap3A_885, %swap3A_886] : memref<2x1x200x64xf32, #tpu.memory_space<vmem>> -> memref<1x1x200x64xf32, #tpu.memory_space<vmem>>
        %swap3A_888 = tpu.memref_squeeze %swap3A_887 : memref<1x1x200x64xf32, #tpu.memory_space<vmem>> -> memref<200x64xf32, #tpu.memory_space<vmem>>
        %swap3A_889 = arith.index_cast %add3A_882 : i32 to index
        %swap3A_890 = arith.constant 16 : index
        %swap3A_891 = tpu.vector_load %swap3A_888[%swap3A_889, %swap3A_890] {strides = array<i32>} : memref<200x64xf32, #tpu.memory_space<vmem>>, vector<1x16xf32>,
        %swap3A_892 = vector.shape_cast %swap3A_891 : vector<1x16xf32> to vector<16xf32>
        %swap3A_893 = vector.shape_cast %get3A_878 : vector<16xf32> to vector<1x16xf32>
        tpu.vector_store %swap3A_888[%swap3A_889, %swap3A_890], %swap3A_893 {strides = array<i32>} : memref<200x64xf32, #tpu.memory_space<vmem>>, vector<1x16xf32>,
        %mul3A_894 = arith.constant 4 : i32
        %mul3A_895 = arith.muli %scan3A_503, %mul3A_894 : i32
        %add3A_896 = arith.constant 3 : i32
        %add3A_897 = arith.addi %mul3A_895, %add3A_896 : i32
        %get3A_898 = arith.constant 1 : i32
        %get3A_899 = arith.constant 0 : i32
        %get3A_900 = arith.constant 0 : i32
        %get3A_901 = tpu.memref_slice %arg6[%get3A_898, %get3A_899, %get3A_900] : memref<2x256x128xf32, #tpu.memory_space<vmem>> -> memref<1x256x128xf32, #tpu.memory_space<vmem>>
        %get3A_902 = tpu.memref_squeeze %get3A_901 : memref<1x256x128xf32, #tpu.memory_space<vmem>> -> memref<256x128xf32, #tpu.memory_space<vmem>>
        %get3A_903 = arith.index_cast %add3A_897 : i32 to index
        %get3A_904 = arith.constant 32 : index
        %get3A_905 = tpu.vector_load %get3A_902[%get3A_903, %get3A_904] {strides = array<i32>} : memref<256x128xf32, #tpu.memory_space<vmem>>, vector<1x16xf32>,
        %get3A_906 = vector.shape_cast %get3A_905 : vector<1x16xf32> to vector<16xf32>
        %mul3A_907 = arith.constant 4 : i32
        %mul3A_908 = arith.muli %scan3A_503, %mul3A_907 : i32
        %add3A_909 = arith.constant 3 : i32
        %add3A_910 = arith.addi %mul3A_908, %add3A_909 : i32
        %swap3A_911 = arith.constant 1 : i32
        %swap3A_912 = arith.constant 0 : i32
        %swap3A_913 = arith.constant 0 : i32
        %swap3A_914 = arith.constant 0 : i32
        %swap3A_915 = tpu.memref_slice %arg7[%swap3A_911, %swap3A_912, %swap3A_913, %swap3A_914] : memref<2x1x200x64xf32, #tpu.memory_space<vmem>> -> memref<1x1x200x64xf32, #tpu.memory_space<vmem>>
        %swap3A_916 = tpu.memref_squeeze %swap3A_915 : memref<1x1x200x64xf32, #tpu.memory_space<vmem>> -> memref<200x64xf32, #tpu.memory_space<vmem>>
        %swap3A_917 = arith.index_cast %add3A_910 : i32 to index
        %swap3A_918 = arith.constant 32 : index
        %swap3A_919 = tpu.vector_load %swap3A_916[%swap3A_917, %swap3A_918] {strides = array<i32>} : memref<200x64xf32, #tpu.memory_space<vmem>>, vector<1x16xf32>,
        %swap3A_920 = vector.shape_cast %swap3A_919 : vector<1x16xf32> to vector<16xf32>
        %swap3A_921 = vector.shape_cast %get3A_906 : vector<16xf32> to vector<1x16xf32>
        tpu.vector_store %swap3A_916[%swap3A_917, %swap3A_918], %swap3A_921 {strides = array<i32>} : memref<200x64xf32, #tpu.memory_space<vmem>>, vector<1x16xf32>,
        %mul3A_922 = arith.constant 4 : i32
        %mul3A_923 = arith.muli %scan3A_503, %mul3A_922 : i32
        %add3A_924 = arith.constant 3 : i32
        %add3A_925 = arith.addi %mul3A_923, %add3A_924 : i32
        %get3A_926 = arith.constant 1 : i32
        %get3A_927 = arith.constant 0 : i32
        %get3A_928 = arith.constant 0 : i32
        %get3A_929 = tpu.memref_slice %arg6[%get3A_926, %get3A_927, %get3A_928] : memref<2x256x128xf32, #tpu.memory_space<vmem>> -> memref<1x256x128xf32, #tpu.memory_space<vmem>>
        %get3A_930 = tpu.memref_squeeze %get3A_929 : memref<1x256x128xf32, #tpu.memory_space<vmem>> -> memref<256x128xf32, #tpu.memory_space<vmem>>
        %get3A_931 = arith.index_cast %add3A_925 : i32 to index
        %get3A_932 = arith.constant 48 : index
        %get3A_933 = tpu.vector_load %get3A_930[%get3A_931, %get3A_932] {strides = array<i32>} : memref<256x128xf32, #tpu.memory_space<vmem>>, vector<1x16xf32>,
        %get3A_934 = vector.shape_cast %get3A_933 : vector<1x16xf32> to vector<16xf32>
        %mul3A_935 = arith.constant 4 : i32
        %mul3A_936 = arith.muli %scan3A_503, %mul3A_935 : i32
        %add3A_937 = arith.constant 3 : i32
        %add3A_938 = arith.addi %mul3A_936, %add3A_937 : i32
        %swap3A_939 = arith.constant 1 : i32
        %swap3A_940 = arith.constant 0 : i32
        %swap3A_941 = arith.constant 0 : i32
        %swap3A_942 = arith.constant 0 : i32
        %swap3A_943 = tpu.memref_slice %arg7[%swap3A_939, %swap3A_940, %swap3A_941, %swap3A_942] : memref<2x1x200x64xf32, #tpu.memory_space<vmem>> -> memref<1x1x200x64xf32, #tpu.memory_space<vmem>>
        %swap3A_944 = tpu.memref_squeeze %swap3A_943 : memref<1x1x200x64xf32, #tpu.memory_space<vmem>> -> memref<200x64xf32, #tpu.memory_space<vmem>>
        %swap3A_945 = arith.index_cast %add3A_938 : i32 to index
        %swap3A_946 = arith.constant 48 : index
        %swap3A_947 = tpu.vector_load %swap3A_944[%swap3A_945, %swap3A_946] {strides = array<i32>} : memref<200x64xf32, #tpu.memory_space<vmem>>, vector<1x16xf32>,
        %swap3A_948 = vector.shape_cast %swap3A_947 : vector<1x16xf32> to vector<16xf32>
        %swap3A_949 = vector.shape_cast %get3A_934 : vector<16xf32> to vector<1x16xf32>
        tpu.vector_store %swap3A_944[%swap3A_945, %swap3A_946], %swap3A_949 {strides = array<i32>} : memref<200x64xf32, #tpu.memory_space<vmem>>, vector<1x16xf32>,
      }
      %scan3A_481 = arith.constant 50 : i32
      %add3A_482 = arith.addi %mul3A_2, %add3A_356 : i32
      %dma_start3A_483 = arith.constant 1 : i32
      %dma_start3A_484 = arith.constant 1 : i32
      %dma_start3A_485 = arith.constant 0 : i32
      %dma_start3A_486 = arith.constant 0 : i32
      %dma_start3A_487 = arith.constant 0 : i32
      %dma_start3A_488 = tpu.memref_slice %arg7[%dma_start3A_483, %dma_start3A_485, %dma_start3A_486, %dma_start3A_487] : memref<2x1x200x64xf32, #tpu.memory_space<vmem>> -> memref<1x1x200x64xf32, #tpu.memory_space<vmem>>
      %dma_start3A_489 = tpu.memref_squeeze %dma_start3A_488 : memref<1x1x200x64xf32, #tpu.memory_space<vmem>> -> memref<1x200x64xf32, #tpu.memory_space<vmem>>
      %dma_start3A_490 = arith.constant 0 : i32
      %dma_start3A_491 = arith.constant 0 : i32
      %dma_start3A_492 = tpu.memref_slice %arg4[%add3A_482, %dma_start3A_490, %dma_start3A_491] : memref<16384x200x64xf32, #tpu.memory_space<hbm>> -> memref<1x200x64xf32, #tpu.memory_space<hbm>>
      %dma_start3A_493 = tpu.memref_slice %arg10[%dma_start3A_484] : memref<2x!tpu.dma_semaphore, #tpu.memory_space<semaphore_mem>> -> memref<1x!tpu.dma_semaphore, #tpu.memory_space<semaphore_mem>>
      %dma_start3A_494 = tpu.memref_squeeze %dma_start3A_493 : memref<1x!tpu.dma_semaphore, #tpu.memory_space<semaphore_mem>> -> memref<!tpu.dma_semaphore, #tpu.memory_space<semaphore_mem>>
      %dma_start3A_495 = arith.constant 0 : i32
      %dma_start3A_496 = arith.constant 0 : i32
      %dma_start3A_497 = tpu.memref_slice %arg4[%add3A_482, %dma_start3A_495, %dma_start3A_496] : memref<16384x200x64xf32, #tpu.memory_space<hbm>> -> memref<1x200x64xf32, #tpu.memory_space<hbm>>
      %dma_start3A_498 = arith.constant 0 : i32
      %dma_start3A_499 = arith.constant 0 : i32
      %dma_start3A_500 = arith.constant 0 : i32
      %dma_start3A_501 = tpu.memref_slice %arg7[%dma_start3A_483, %dma_start3A_498, %dma_start3A_499, %dma_start3A_500] : memref<2x1x200x64xf32, #tpu.memory_space<vmem>> -> memref<1x1x200x64xf32, #tpu.memory_space<vmem>>
      %dma_start3A_502 = tpu.memref_squeeze %dma_start3A_501 : memref<1x1x200x64xf32, #tpu.memory_space<vmem>> -> memref<1x200x64xf32, #tpu.memory_space<vmem>>
      tpu.enqueue_dma source(%dma_start3A_502 : memref<1x200x64xf32, #tpu.memory_space<vmem>>) target(%dma_start3A_497 : memref<1x200x64xf32, #tpu.memory_space<hbm>>) target_semaphore(%dma_start3A_494 : memref<!tpu.dma_semaphore, #tpu.memory_space<semaphore_mem>>)
    }
    %scan3A_108 = arith.constant 256 : i32
    %dma_wait3A_109 = arith.constant 0 : i32
    %dma_wait3A_110 = arith.constant 0 : i32
    %dma_wait3A_111 = arith.constant 0 : i32
    %dma_wait3A_112 = arith.constant 0 : i32
    %dma_wait3A_113 = arith.constant 0 : i32
    %dma_wait3A_114 = arith.constant 0 : i32
    %dma_wait3A_115 = tpu.memref_slice %arg6[%dma_wait3A_111, %dma_wait3A_113, %dma_wait3A_114] : memref<2x256x128xf32, #tpu.memory_space<vmem>> -> memref<1x128x128xf32, #tpu.memory_space<vmem>>
    %dma_wait3A_116 = tpu.memref_squeeze %dma_wait3A_115 : memref<1x128x128xf32, #tpu.memory_space<vmem>> -> memref<128x128xf32, #tpu.memory_space<vmem>>
    %dma_wait3A_117 = arith.constant 0 : i32
    %dma_wait3A_118 = tpu.memref_slice %arg5[%dma_wait3A_109, %dma_wait3A_110, %dma_wait3A_117] : memref<2x8x128xi32, #tpu.memory_space<vmem>> -> memref<1x1x128xi32, #tpu.memory_space<vmem>>
    %dma_wait3A_119 = tpu.memref_squeeze %dma_wait3A_118 : memref<1x1x128xi32, #tpu.memory_space<vmem>> -> memref<128xi32, #tpu.memory_space<vmem>>
    %dma_wait3A_120 = arith.constant 0 : i32
    %dma_wait3A_121 = arith.constant 0 : i32
    %dma_wait3A_122 = tpu.memref_slice %arg3[%dma_wait3A_120, %dma_wait3A_121] : memref<8192x128xf32, #tpu.memory_space<hbm>> -> memref<8192x128xf32, #tpu.memory_space<hbm>>
    %dma_wait3A_123 = tpu.memref_slice %arg9[%dma_wait3A_112] : memref<2x!tpu.dma_semaphore, #tpu.memory_space<semaphore_mem>> -> memref<1x!tpu.dma_semaphore, #tpu.memory_space<semaphore_mem>>
    %dma_wait3A_124 = tpu.memref_squeeze %dma_wait3A_123 : memref<1x!tpu.dma_semaphore, #tpu.memory_space<semaphore_mem>> -> memref<!tpu.dma_semaphore, #tpu.memory_space<semaphore_mem>>
    tpu.wait_indirect_dma semaphore(%dma_wait3A_124 : memref<!tpu.dma_semaphore, #tpu.memory_space<semaphore_mem>>) src(%dma_wait3A_122 : memref<8192x128xf32, #tpu.memory_space<hbm>>) dst(%dma_wait3A_116 : memref<128x128xf32, #tpu.memory_space<vmem>>)
    %dma_wait3A_125 = arith.constant 0 : i32
    %dma_wait3A_126 = arith.constant 1 : i32
    %dma_wait3A_127 = arith.constant 0 : i32
    %dma_wait3A_128 = arith.constant 0 : i32
    %dma_wait3A_129 = arith.constant 128 : i32
    %dma_wait3A_130 = arith.constant 0 : i32
    %dma_wait3A_131 = tpu.memref_slice %arg6[%dma_wait3A_127, %dma_wait3A_129, %dma_wait3A_130] : memref<2x256x128xf32, #tpu.memory_space<vmem>> -> memref<1x128x128xf32, #tpu.memory_space<vmem>>
    %dma_wait3A_132 = tpu.memref_squeeze %dma_wait3A_131 : memref<1x128x128xf32, #tpu.memory_space<vmem>> -> memref<128x128xf32, #tpu.memory_space<vmem>>
    %dma_wait3A_133 = arith.constant 0 : i32
    %dma_wait3A_134 = tpu.memref_slice %arg5[%dma_wait3A_125, %dma_wait3A_126, %dma_wait3A_133] : memref<2x8x128xi32, #tpu.memory_space<vmem>> -> memref<1x1x128xi32, #tpu.memory_space<vmem>>
    %dma_wait3A_135 = tpu.memref_squeeze %dma_wait3A_134 : memref<1x1x128xi32, #tpu.memory_space<vmem>> -> memref<128xi32, #tpu.memory_space<vmem>>
    %dma_wait3A_136 = arith.constant 0 : i32
    %dma_wait3A_137 = arith.constant 0 : i32
    %dma_wait3A_138 = tpu.memref_slice %arg3[%dma_wait3A_136, %dma_wait3A_137] : memref<8192x128xf32, #tpu.memory_space<hbm>> -> memref<8192x128xf32, #tpu.memory_space<hbm>>
    %dma_wait3A_139 = tpu.memref_slice %arg9[%dma_wait3A_128] : memref<2x!tpu.dma_semaphore, #tpu.memory_space<semaphore_mem>> -> memref<1x!tpu.dma_semaphore, #tpu.memory_space<semaphore_mem>>
    %dma_wait3A_140 = tpu.memref_squeeze %dma_wait3A_139 : memref<1x!tpu.dma_semaphore, #tpu.memory_space<semaphore_mem>> -> memref<!tpu.dma_semaphore, #tpu.memory_space<semaphore_mem>>
    tpu.wait_indirect_dma semaphore(%dma_wait3A_140 : memref<!tpu.dma_semaphore, #tpu.memory_space<semaphore_mem>>) src(%dma_wait3A_138 : memref<8192x128xf32, #tpu.memory_space<hbm>>) dst(%dma_wait3A_132 : memref<128x128xf32, #tpu.memory_space<vmem>>)
    %dma_wait3A_141 = arith.constant 0 : i32
    %dma_wait3A_142 = arith.constant 0 : i32
    %dma_wait3A_143 = arith.constant 0 : i32
    %dma_wait3A_144 = arith.constant 0 : i32
    %dma_wait3A_145 = arith.constant 0 : i32
    %dma_wait3A_146 = tpu.memref_slice %arg7[%dma_wait3A_141, %dma_wait3A_143, %dma_wait3A_144, %dma_wait3A_145] : memref<2x1x200x64xf32, #tpu.memory_space<vmem>> -> memref<1x1x200x64xf32, #tpu.memory_space<vmem>>
    %dma_wait3A_147 = tpu.memref_squeeze %dma_wait3A_146 : memref<1x1x200x64xf32, #tpu.memory_space<vmem>> -> memref<1x200x64xf32, #tpu.memory_space<vmem>>
    %dma_wait3A_148 = arith.constant 0 : i32
    %dma_wait3A_149 = arith.constant 0 : i32
    %dma_wait3A_150 = tpu.memref_slice %arg4[%mul3A_2, %dma_wait3A_148, %dma_wait3A_149] : memref<16384x200x64xf32, #tpu.memory_space<hbm>> -> memref<1x200x64xf32, #tpu.memory_space<hbm>>
    %dma_wait3A_151 = tpu.memref_slice %arg10[%dma_wait3A_142] : memref<2x!tpu.dma_semaphore, #tpu.memory_space<semaphore_mem>> -> memref<1x!tpu.dma_semaphore, #tpu.memory_space<semaphore_mem>>
    %dma_wait3A_152 = tpu.memref_squeeze %dma_wait3A_151 : memref<1x!tpu.dma_semaphore, #tpu.memory_space<semaphore_mem>> -> memref<!tpu.dma_semaphore, #tpu.memory_space<semaphore_mem>>
    %dma_wait3A_153 = arith.constant 0 : i32
    %dma_wait3A_154 = arith.constant 0 : i32
    %dma_wait3A_155 = tpu.memref_slice %arg4[%mul3A_2, %dma_wait3A_153, %dma_wait3A_154] : memref<16384x200x64xf32, #tpu.memory_space<hbm>> -> memref<1x200x64xf32, #tpu.memory_space<hbm>>
    %dma_wait3A_156 = arith.constant 0 : i32
    %dma_wait3A_157 = arith.constant 0 : i32
    %dma_wait3A_158 = arith.constant 0 : i32
    %dma_wait3A_159 = tpu.memref_slice %arg7[%dma_wait3A_141, %dma_wait3A_156, %dma_wait3A_157, %dma_wait3A_158] : memref<2x1x200x64xf32, #tpu.memory_space<vmem>> -> memref<1x1x200x64xf32, #tpu.memory_space<vmem>>
    %dma_wait3A_160 = tpu.memref_squeeze %dma_wait3A_159 : memref<1x1x200x64xf32, #tpu.memory_space<vmem>> -> memref<1x200x64xf32, #tpu.memory_space<vmem>>
    tpu.wait_dma2 semaphore(%dma_wait3A_152 : memref<!tpu.dma_semaphore, #tpu.memory_space<semaphore_mem>>) src(%dma_wait3A_160 : memref<1x200x64xf32, #tpu.memory_space<vmem>>) dst(%dma_wait3A_155 : memref<1x200x64xf32, #tpu.memory_space<hbm>>)
    %dma_wait3A_161 = arith.constant 1 : i32
    %dma_wait3A_162 = arith.constant 1 : i32
    %dma_wait3A_163 = arith.constant 0 : i32
    %dma_wait3A_164 = arith.constant 0 : i32
    %dma_wait3A_165 = arith.constant 0 : i32
    %dma_wait3A_166 = tpu.memref_slice %arg7[%dma_wait3A_161, %dma_wait3A_163, %dma_wait3A_164, %dma_wait3A_165] : memref<2x1x200x64xf32, #tpu.memory_space<vmem>> -> memref<1x1x200x64xf32, #tpu.memory_space<vmem>>
    %dma_wait3A_167 = tpu.memref_squeeze %dma_wait3A_166 : memref<1x1x200x64xf32, #tpu.memory_space<vmem>> -> memref<1x200x64xf32, #tpu.memory_space<vmem>>
    %dma_wait3A_168 = arith.constant 0 : i32
    %dma_wait3A_169 = arith.constant 0 : i32
    %dma_wait3A_170 = tpu.memref_slice %arg4[%mul3A_2, %dma_wait3A_168, %dma_wait3A_169] : memref<16384x200x64xf32, #tpu.memory_space<hbm>> -> memref<1x200x64xf32, #tpu.memory_space<hbm>>
    %dma_wait3A_171 = tpu.memref_slice %arg10[%dma_wait3A_162] : memref<2x!tpu.dma_semaphore, #tpu.memory_space<semaphore_mem>> -> memref<1x!tpu.dma_semaphore, #tpu.memory_space<semaphore_mem>>
    %dma_wait3A_172 = tpu.memref_squeeze %dma_wait3A_171 : memref<1x!tpu.dma_semaphore, #tpu.memory_space<semaphore_mem>> -> memref<!tpu.dma_semaphore, #tpu.memory_space<semaphore_mem>>
    %dma_wait3A_173 = arith.constant 0 : i32
    %dma_wait3A_174 = arith.constant 0 : i32
    %dma_wait3A_175 = tpu.memref_slice %arg4[%mul3A_2, %dma_wait3A_173, %dma_wait3A_174] : memref<16384x200x64xf32, #tpu.memory_space<hbm>> -> memref<1x200x64xf32, #tpu.memory_space<hbm>>
    %dma_wait3A_176 = arith.constant 0 : i32
    %dma_wait3A_177 = arith.constant 0 : i32
    %dma_wait3A_178 = arith.constant 0 : i32
    %dma_wait3A_179 = tpu.memref_slice %arg7[%dma_wait3A_161, %dma_wait3A_176, %dma_wait3A_177, %dma_wait3A_178] : memref<2x1x200x64xf32, #tpu.memory_space<vmem>> -> memref<1x1x200x64xf32, #tpu.memory_space<vmem>>
    %dma_wait3A_180 = tpu.memref_squeeze %dma_wait3A_179 : memref<1x1x200x64xf32, #tpu.memory_space<vmem>> -> memref<1x200x64xf32, #tpu.memory_space<vmem>>
    tpu.wait_dma2 semaphore(%dma_wait3A_172 : memref<!tpu.dma_semaphore, #tpu.memory_space<semaphore_mem>>) src(%dma_wait3A_180 : memref<1x200x64xf32, #tpu.memory_space<vmem>>) dst(%dma_wait3A_175 : memref<1x200x64xf32, #tpu.memory_space<hbm>>)
    %min3A_181 = arith.constant 511 : i32
    %min3A_182 = arith.constant 511 : i32
    %min3A_183 = arith.minsi %min3A_181, %min3A_182 : i32
    %add3A_184 = arith.addi %mul3A_2, %min3A_183 : i32
    %dma_wait3A_185 = arith.constant 1 : i32
    %dma_wait3A_186 = arith.constant 1 : i32
    %dma_wait3A_187 = arith.constant 0 : i32
    %dma_wait3A_188 = arith.constant 0 : i32
    %dma_wait3A_189 = tpu.memref_slice %arg5[%dma_wait3A_185, %dma_wait3A_187, %dma_wait3A_188] : memref<2x8x128xi32, #tpu.memory_space<vmem>> -> memref<1x8x128xi32, #tpu.memory_space<vmem>>
    %dma_wait3A_190 = tpu.memref_squeeze %dma_wait3A_189 : memref<1x8x128xi32, #tpu.memory_space<vmem>> -> memref<8x128xi32, #tpu.memory_space<vmem>>
    %dma_wait3A_191 = arith.constant 0 : i32
    %dma_wait3A_192 = arith.constant 0 : i32
    %dma_wait3A_193 = tpu.memref_slice %arg2[%add3A_184, %dma_wait3A_191, %dma_wait3A_192] : memref<16384x8x128xi32, #tpu.memory_space<hbm>> -> memref<1x8x128xi32, #tpu.memory_space<hbm>>
    %dma_wait3A_194 = tpu.memref_squeeze %dma_wait3A_193 : memref<1x8x128xi32, #tpu.memory_space<hbm>> -> memref<8x128xi32, #tpu.memory_space<hbm>>
    %dma_wait3A_195 = tpu.memref_slice %arg8[%dma_wait3A_186] : memref<2x!tpu.dma_semaphore, #tpu.memory_space<semaphore_mem>> -> memref<1x!tpu.dma_semaphore, #tpu.memory_space<semaphore_mem>>
    %dma_wait3A_196 = tpu.memref_squeeze %dma_wait3A_195 : memref<1x!tpu.dma_semaphore, #tpu.memory_space<semaphore_mem>> -> memref<!tpu.dma_semaphore, #tpu.memory_space<semaphore_mem>>
    %dma_wait3A_197 = arith.constant 0 : i32
    %dma_wait3A_198 = arith.constant 0 : i32
    %dma_wait3A_199 = tpu.memref_slice %arg5[%dma_wait3A_185, %dma_wait3A_197, %dma_wait3A_198] : memref<2x8x128xi32, #tpu.memory_space<vmem>> -> memref<1x8x128xi32, #tpu.memory_space<vmem>>
    %dma_wait3A_200 = tpu.memref_squeeze %dma_wait3A_199 : memref<1x8x128xi32, #tpu.memory_space<vmem>> -> memref<8x128xi32, #tpu.memory_space<vmem>>
    %dma_wait3A_201 = arith.constant 0 : i32
    %dma_wait3A_202 = arith.constant 0 : i32
    %dma_wait3A_203 = tpu.memref_slice %arg2[%add3A_184, %dma_wait3A_201, %dma_wait3A_202] : memref<16384x8x128xi32, #tpu.memory_space<hbm>> -> memref<1x8x128xi32, #tpu.memory_space<hbm>>
    %dma_wait3A_204 = tpu.memref_squeeze %dma_wait3A_203 : memref<1x8x128xi32, #tpu.memory_space<hbm>> -> memref<8x128xi32, #tpu.memory_space<hbm>>
    tpu.wait_dma2 semaphore(%dma_wait3A_196 : memref<!tpu.dma_semaphore, #tpu.memory_space<semaphore_mem>>) src(%dma_wait3A_204 : memref<8x128xi32, #tpu.memory_space<hbm>>) dst(%dma_wait3A_200 : memref<8x128xi32, #tpu.memory_space<vmem>>)
    return
  }
}

</mosaic_0001>

<sc_bundles>
// kernel: kernel.3.cloned.1.call-start
scs
__scs_entry_jumppad:
0x0: {  	(pc) =	sbr.rel $0x88, $3  }
0x1: {  	(tag) =	ssettag $0x0;
	lr =	simm.s32 $0x1  }
0x2: {  	[smem:$0x3F9F] =	sst lr;
	_ =	strace $0xD0000000  }
0x3: {  	_ = 	snop  }
0x4: {  	_ = 	snop  }
0x5: {  	_ = 	snop  }
0x6: {  	_ = 	snop  }
0x7: {  	_ = 	snop  }
__scs_overlays_trampoline_lowered:
0x8: {  	[smem:$0x3FAE] =	sst s0  }
0x9: {  	[smem:$0x3FAF] =	sst s1  }
0xa: {  	[smem:$0x3FB0] =	sst s2  }
0xb: {  	[smem:$0x3FB1] =	sst s3  }
0xc: {  	[smem:$0x3FB2] =	sst s4  }
0xd: {  	[smem:$0x3FB3] =	sst s5  }
0xe: {  	[smem:$0x3FB4] =	sst s6  }
0xf: {  	[smem:$0x3FB5] =	sst s7  }
0x10: {  	[smem:$0x3FB6] =	sst s8  }
0x11: {  	[smem:$0x3FB7] =	sst s9;
	s0 =	simm.s32 @!p0 $0x0  }
0x12: {  	s1 =	sld [smem:$0x3F9D];
	s0 =	simm.s32 @p0 $0x1  }
0x13: {  	[smem:$0x3FB8] =	sst s0;
	s0 =	simm.s32 @!p1 $0x0  }
0x14: {  	s2 =	sld [smem:$0x3F9C];
	s0 =	simm.s32 @p1 $0x1  }
0x15: {  	[smem:$0x3FB9] =	sst s0;
	s0 =	simm.s32 @!p2 $0x0  }
0x16: {  	s3 =	sld [smem:$0x3FDB];
	s0 =	simm.s32 @p2 $0x1  }
0x17: {  	s4 =	simm.s32 $0x1BF5;
	[smem:$0x3FBB] =	sst s0  }
0x18: {  	s0 =	sld [smem:$0x3F9E];
	_ =	swait.ge [sflag:s4], $0x0  }
0x19: {  	s7 =	sld [smem:$0x3F9F]  }
0x1a: {  	s8 =	sadd.s32 $0xFFFFE003, lr  }
0x1b: {  	s9 =	sadd.s32 $0xFFFFFEF7, lr;
	s5 =	simm.s32 $0xFFFFFFFF;
	p2 =	slt.u32 s8, $0xFFFFF086  }
0x1c: {  	p1 =	slt.u32 s9, $0xF7A;
	s5 =	simm.s32 @!p2 $0x0  }
0x1d: {  	s5 =	simm.s32 @p1 $0x1;
	p0 =	seq.s32 s7, s2  }
0x1e: {  	s7 =	smul.u32 @!p0 $0xF7A, s2;
	p2 =	seq.s32 @!p0 s5, $0x0  }
0x1f: {  	s9 =	smul.u32 $0xF7A, s1;
	s8 =	simm.s32 @!p0 $0x1BF5;
	p2 =	por !p2, p0  }
0x20: {  	[sflag:s8] =	ssyncset.s32 @!p0 $0xFFFFF086;
	s6 =	sadd.s32 @!p0 s3, s7;
	s7 =	simm.s32 @!p0 $0x108  }
0x21: {  	s3 =	sadd.s32 s3, s9;
	s6 =	sadd.s32 @!p0 $0x88, s6;
	s7 =	simm.s32 @p2 $0x1082  }
0x22: {  	[simem:s7], [sflag:s8] =	dma.local @!p0 [hbm:s6], $0xF7A  }
0x23: {  	s9 =	sor.u32 $0xD0000000, s2;
	s6 =	simm.s32 $0x108;
	_ =	swait.ge @!p0 [sflag:s8], $0x0  }
0x24: {  	s3 =	sadd.s32 $0x88, s3;
	s6 =	simm.s32 @!p1 $0x1082;
	[sflag:s4] =	ssyncset.s32 $0xFFFFF086  }
0x25: {  	[simem:s6], [sflag:s4] =	dma.local [hbm:s3], $0xF7A  }
0x26: {  	[smem:$0x3F9F] =	sst s1;
	(tag) =	ssettag s2;
	_ =	strace s9  }
0x27: {  	s1 =	sld [smem:$0x3FAF]  }
0x28: {  	s2 =	sld [smem:$0x3FB0]  }
0x29: {  	s4 =	sld [smem:$0x3FB2]  }
0x2a: {  	p0 =	seq.s32 s5, $0x0;
	s5 =	sld [smem:$0x3FB3]  }
0x2b: {  	s6 =	sld [smem:$0x3FB4]  }
0x2c: {  	s7 =	sld [smem:$0x3FB5]  }
0x2d: {  	s3 =	simm.s32 $0x108;
	s8 =	sld [smem:$0x3FB6]  }
0x2e: {  	s3 =	simm.s32 @!p0 $0x1082;
	s9 =	sld [smem:$0x3FB7]  }
0x2f: {  	lr =	sadd.s32 s0, s3;
	s0 =	sld [smem:$0x3FAE]  }
0x30: {  	s3 =	sld [smem:$0x3FB1]  }
0x31: {  	[smem:$0x3FBA] =	sst s10  }
0x32: {  	s10 =	sld [smem:$0x3FB8];
	_ =	sdelay $0x3  }
0x33: {  	p0 =	seq.s32 s10, $0x1;
	s10 =	sld [smem:$0x3FBA];
	_ =	sdelay $0x3  }
0x34: {  	[smem:$0x3FBA] =	sst s10  }
0x35: {  	s10 =	sld [smem:$0x3FB9];
	_ =	sdelay $0x3  }
0x36: {  	p1 =	seq.s32 s10, $0x1;
	s10 =	sld [smem:$0x3FBA];
	_ =	sdelay $0x3  }
0x37: {  	[smem:$0x3FBA] =	sst s10  }
0x38: {  	s10 =	sld [smem:$0x3FBB]  }
0x39: {  	_ = 	snop;
	(pc) =	sbr.ind lr, $3  }
0x3a: {  	_ = 	snop  }
0x3b: {  	_ = 	snop  }
0x3c: {  	p2 =	seq.s32 s10, $0x1;
	s10 =	sld [smem:$0x3FBA]  }
0x3d: {  	_ =	shalt  }
0x3e: {  	_ =	shalt  }
0x3f: {  	_ =	shalt  }
0x40: {  	_ =	shalt  }
0x41: {  	_ =	shalt  }
0x42: {  	_ =	shalt  }
0x43: {  	_ =	shalt  }
0x44: {  	_ =	shalt  }
0x45: {  	_ =	shalt  }
0x46: {  	_ =	shalt  }
0x47: {  	_ =	shalt  }
0x48: {  	_ =	shalt  }
0x49: {  	_ =	shalt  }
0x4a: {  	_ =	shalt  }
0x4b: {  	_ =	shalt  }
0x4c: {  	_ =	shalt  }
0x4d: {  	_ =	shalt  }
0x4e: {  	_ =	shalt  }
0x4f: {  	_ =	shalt  }
0x50: {  	_ =	shalt  }
0x51: {  	_ =	shalt  }
0x52: {  	_ =	shalt  }
0x53: {  	_ =	shalt  }
0x54: {  	_ =	shalt  }
0x55: {  	_ =	shalt  }
0x56: {  	_ =	shalt  }
0x57: {  	_ =	shalt  }
0x58: {  	_ =	shalt  }
0x59: {  	_ =	shalt  }
0x5a: {  	_ =	shalt  }
0x5b: {  	_ =	shalt  }
0x5c: {  	_ =	shalt  }
0x5d: {  	_ =	shalt  }
0x5e: {  	_ =	shalt  }
0x5f: {  	_ =	shalt  }
0x60: {  	_ =	shalt  }
0x61: {  	_ =	shalt  }
0x62: {  	_ =	shalt  }
0x63: {  	_ =	shalt  }
0x64: {  	_ =	shalt  }
0x65: {  	_ =	shalt  }
0x66: {  	_ =	shalt  }
0x67: {  	_ =	shalt  }
0x68: {  	_ =	shalt  }
0x69: {  	_ =	shalt  }
0x6a: {  	_ =	shalt  }
0x6b: {  	_ =	shalt  }
0x6c: {  	_ =	shalt  }
0x6d: {  	_ =	shalt  }
0x6e: {  	_ =	shalt  }
0x6f: {  	_ =	shalt  }
0x70: {  	_ =	shalt  }
0x71: {  	_ =	shalt  }
0x72: {  	_ =	shalt  }
0x73: {  	_ =	shalt  }
0x74: {  	_ =	shalt  }
0x75: {  	_ =	shalt  }
0x76: {  	_ =	shalt  }
0x77: {  	_ =	shalt  }
0x78: {  	_ =	shalt  }
0x79: {  	_ =	shalt  }
0x7a: {  	_ =	shalt  }
0x7b: {  	_ =	shalt  }
0x7c: {  	_ =	shalt  }
0x7d: {  	_ =	shalt  }
0x7e: {  	_ =	shalt  }
0x7f: {  	_ =	shalt  }
0x80: {  	_ =	shalt  }
0x81: {  	_ =	shalt  }
0x82: {  	_ =	shalt  }
0x83: {  	_ =	shalt  }
0x84: {  	_ =	shalt  }
0x85: {  	_ =	shalt  }
0x86: {  	_ =	shalt  }
0x87: {  	_ =	shalt  }
.Lfunc_end0:
.L_simem_size_0:
called_computation_lowered:
.L_overlay_start_0:
0x88: {  	s2 =	sld [smem:$0x3FD9]  }
0x89: {  	s3 =	sld [smem:$0x3FFE];
	_ =	sdelay $0x1  }
0x8a: {  	s1 =	srdreg.scid  }
0x8b: {  	s0 =	sand.u32 $0x1, s1  }
0x8c: {  	s17 =	sshll.u32 s0, $0xA;
	s2 =	sadd.s32 s3, s2  }
0x8d: {  	s2 =	sadd.s32 s2, s17  }
0x8e: {  	[smem:$0x3FC6] =	sst s2  }
0x8f: {  	_ = 	snop  }
0x90: {  	s2 =	sld [smem:$0x3FD0];
	(tm) =	ssettm $0x1  }
0x91: {  	s18 =	sld [smem:$0x3FFB];
	_ =	sdelay $0x3  }
0x92: {  	_ =	strace s18  }
0x93: {  	s3 =	sld [smem:$0x3FFC];
	_ =	sdelay $0x3  }
0x94: {  	_ =	strace s3  }
0x95: {  	s3 =	sld [smem:$0x3FFD];
	_ =	sdelay $0x3  }
0x96: {  	_ =	strace s3  }
0x97: {  	_ =	strace $0x8FFFFFFF  }
0x98: {  	s19 =	sld [smem:$0x3FDB];
	_ =	sdelay $0x1  }
0x99: {  	s4 =	simm.s32 $_scs_section_size  }
0x9a: {  	s5 =	simm.s32 $_size__tile_overlayer_lowered;
	s6 =	simm.s32 $_tile_overlayer_lowered  }
0x9b: {  	s22 =	simm.s32 $0x1BFF;
	s21 =	sshll.u32 s6, $0x1;
	s3 =	sadd.s32 s4, s19  }
0x9c: {  	s7 =	simm.s32 $0x0;
	s20 =	sshll.u32 s5, $0x1;
	s5 =	sadd.s32 s21, s3  }
0x9d: {  	[timem:s7], [sflag:s22] =	dma.local [hbm:s5], s20  }
0x9e: {  	_ =	swait.ge [sflag:s22], s20  }
0x9f: {  	s4 =	ssub.s32 $0x0, s20;
	[sflag:s22] =	ssyncset.done $0x0  }
0xa0: {  	[sflag:s22] =	ssyncadd.s32 s4;
	_ =	sdelay $0x1  }
0xa1: {  	s23 =	simm.s32 $0x1B8B  }
0xa2: {  	_ =	swait.ge [sflag:s23], $0x1  }
0xa3: {  	[sflag:s23] =	ssyncset.done $0x0  }
0xa4: {  	s25 =	simm.s32 $0x1B8E;
	s24 =	sld [smem:$0x3FFE];
	[sflag:s23] =	ssyncadd.s32 $0xFFFFFFFF  }
0xa5: {  	s26 =	simm.s32 $execute0_lowered;
	[smem:$0x3FD2] =	sst s25  }
0xa6: {  	s5 =	sshll.u32 s26, $0x1;
	_ =	strace $0x80000046;
	[dreg:$0x1] =	wrdreg $0xFFFFFFFF  }
0xa7: {  	s28 =	simm.s32 $_size_execute0_lowered;
	s3 =	sadd.s32 s3, s5;
	[dreg:$0x0] =	wrdreg $0x0  }
0xa8: {  	s5 =	sshll.u32 s28, $0x1;
	[dreg:$0x2] =	wrdreg s3  }
0xa9: {  	[dreg:$0x3] =	wrdreg s5  }
0xaa: {  	[dreg:$0x4] =	wrdreg $0xC0  }
0xab: {  	_ =	task [dreg:s7], $0x5FFFF  }
0xac: {  	[dreg:$0x1] =	wrdreg $0xFFFFFFFF  }
0xad: {  	[dreg:$0x0] =	wrdreg $0x60  }
0xae: {  	[dreg:$0x2] =	wrdreg s24  }
0xaf: {  	[dreg:$0x3] =	wrdreg s2  }
0xb0: {  	[dreg:$0x4] =	wrdreg $0x9  }
0xb1: {  	_ =	task.clear_ibuf [dreg:s7], $0x5FFFF;
	_ =	strace $0x90000046  }
0xb2: {  	s29 =	simm.s32 $0x9;
	_ =	strace $0x80000048  }
0xb3: {  	_ =	swait.ge [sflag:s29], $0x1  }
0xb4: {  	[sflag:s29] =	ssyncadd.s32 $0xFFFFFFFF  }
0xb5: {  	_ =	strace $0x90000048  }
0xb6: {  	_ =	sfence  }
0xb7: {  	s30 =	sld [smem:$0x0];
	_ =	sdelay $0x2  }
0xb8: {  	s31 =	sshll.u32 s1, $0xD;
	s1 =	sshrl.u32 s1, $0x2  }
0xb9: {  	s3 =	sand.u32 $0x4000, s31;
	s1 =	sadd.s32 s1, s30  }
0xba: {  	s0 =	sor.u32 s3, s0;
	s1 =	sshll.u32 s1, $0x11  }
0xbb: {  	s0 =	sor.u32 s1, s0  }
0xbc: {  	s0 =	sadd.s32 $0x8F2B, s0  }
0xbd: {  	[sflag:s0] =	ssyncadd.remote.s32 $0x1  }
0xbe: {  	_ =	sfence.sel $0xFFFF  }
0xbf: {  	[dreg:$0x0] =	wrdreg $0xFFFFFFFF;
	(pc) =	sbr.abs _section_cstart, $3  }
0xc0: {  	[dreg:$0x1] =	wrdreg $0xFFFFFFFF  }
0xc1: {  	_ =	task.clear_ibuf [dreg:s7], $0x2FFFF;
	_ =	strace $0x9FFFFFFF  }
0xc2: {  	(tm) =	ssettm $0x7FFFFFFF  }
0xc3: {  	_ =	shalt  }
tec
execute0_lowered:
.L_overlay_start_1:
0x0: {  	(tag) =	ssettag $0x1  }
0x1: {  	s0 =	rddreg [dreg:$0x0]  }
0x2: {  	s2 =	rddreg [dreg:$0x1];
	s1 =	srdreg.scid  }
0x3: {  	s3 =	simm.s32 $0x0;
	s4 =	stileid.u32;
	s12 =	simm.s32 $0x400  }
0x4: {  	s13 =	simm.s32 $0x1;
	s14 =	simm.s32 $0x80;
	s15 =	simm.s32 $0x800  }
0x5: {  	s16 =	simm.s32 $0x4800;
	s17 =	simm.s32 $0x3;
	s18 =	simm.s32 $0x2  }
0x6: {  	s19 =	simm.s32 $0x8800;
	s20 =	simm.s32 $0x480;
	s21 =	simm.s32 $0xC800  }
0x7: {  	s22 =	simm.s32 $0x10800;
	s23 =	simm.s32 $0x4;
	s24 =	simm.s32 $0x16C00  }
0x8: {  	s25 =	simm.s32 $0x5;
	s26 =	simm.s32 $0x6;
	s1 =	sand.u32 $0x1, s1  }
0x9: {  	s28 =	simm.s32 $0x0;
	s4 =	sshll.u32 s4, $0xA;
	s5 =	sshll.u32 s1, $0x9  }
0xa: {  	[smem:$0x7FF] =	sst s3;
	s6 =	sadd.s32 $0x200400, s0;
	s4 =	sor.u32 s5, s4  }
0xb: {  	s1 =	ssub.s32 $0x2, s1;
	s5 =	sadd.s32 $0x400, s0;
	s7 =	sshll.u32 s4, $0x7  }
0xc: {  	_ =	strace $0x80000047;
	s30 =	sshrl.u32 s1, $0x1;
	s7 =	sadd.s32 s5, s7  }
0xd: {  	s0 =	ssub.s32 s1, s30;
	s9 =	sor.u32 $0x2, s4;
	s31 =	sadd.s32 $0x80, s7  }
0xe: {  	s10 =	sor.u32 $0x3, s4;
	s11 =	smax.u32 s0, $0x1;
	[dreg:$0x3] =	wrdreg s31  }
.LBB2_1:
0xf: {  	[tilespmem:s3], [sflag:$0x1] =	stream.linear.gather [hbm4b:s7+s3], $0x400, $0x38;
	[tilespmem:$0x1D000] =	vst v63  }
0x10: {  	s0 =	rddreg [dreg:$0x3]  }
0x11: {  	[tilespmem:s12], [sflag:$0x2] =	stream.linear.gather [hbm4b:s0+s3], $0x400, $0x38;
	[tilespmem:$0x1D000] =	vst v63  }
0x12: {  	_ =	swait.ge [sflag:s13], $0x400  }
0x13: {  	[sflag:s13] =	ssyncset.done $0x0  }
0x14: {  	[sflag:s13] =	ssyncadd.s32 $0xFFFFFC00  }
0x15: {  	[tilespmem:s15], [sflag:$0x3] =	stream.indirect.gather [hbm4b:s2+s14], $0x80, s3, s14, $0xb8;
	[tilespmem:$0x1D000] =	vst v63  }
0x16: {  	s29 =	simm.s32 $0x0  }
0x17: {  	[tilespmem:s16], [sflag:$0x3] =	stream.indirect.gather [hbm4b:s2+s14], $0x80, s14, s14, $0xb8;
	[tilespmem:$0x1D000] =	vst v63  }
.LBB2_2:
0x18: {  	_ =	swait.ge [sflag:s17], $0x4000  }
0x19: {  	s31 =	sshll.u32 s29, $0x1;
	[sflag:s17] =	ssyncset.done $0x0  }
0x1a: {  	s0 =	smin.u32 s31, $0x1FD;
	[sflag:s17] =	ssyncadd.s32 $0xFFFFC000  }
0x1b: {  	s0 =	sadd.s32 s0, s9;
	_ =	swait.ge [sflag:s17], $0x4000  }
0x1c: {  	s0 =	sshll.u32 s0, $0x7;
	[sflag:s17] =	ssyncset.done $0x0  }
0x1d: {  	s0 =	sadd.s32 s5, s0;
	[sflag:s17] =	ssyncadd.s32 $0xFFFFC000  }
0x1e: {  	[tilespmem:s3], [sflag:$0x1] =	stream.linear.gather [hbm4b:s0+s3], $0x400, $0x38;
	[tilespmem:$0x1D000] =	vst v63  }
0x1f: {  	_ =	swait.ge [sflag:s18], $0x400  }
0x20: {  	[sflag:s18] =	ssyncset.done $0x0  }
0x21: {  	p0 =	seq.s32 s29, $0x0;
	[sflag:s18] =	ssyncadd.s32 $0xFFFFFC00  }
0x22: {  	[tilespmem:s19], [sflag:$0x4] =	stream.indirect.gather [hbm4b:s2+s14], $0x80, s12, s14, $0xb8;
	[tilespmem:$0x1D000] =	vst v63  }
0x23: {  	s0 =	simm.s32 @!p0 $0x5  }
0x24: {  	[tilespmem:s21], [sflag:$0x4] =	stream.indirect.gather [hbm4b:s2+s14], $0x80, s20, s14, $0xb8;
	[tilespmem:$0x1D000] =	vst v63  }
0x25: {  	_ =	swait.ge @!p0 [sflag:s0], $0x6400  }
0x26: {  	[sflag:s0] =	ssyncset.done @!p0 $0x0  }
0x27: {  	[sflag:s0] =	ssyncadd.s32 @!p0 $0xFFFF9C00;
	s0 =	simm.s32 $0x0  }
0x28: {  	v0 =	vld [tilespmem:s0+$0x9B0]  }
0x29: {  	v1 =	vld [tilespmem:s0+$0x800]  }
0x2a: {  	v2 =	vld [tilespmem:s0+$0x810]  }
0x2b: {  	v3 =	vld [tilespmem:s0+$0x820]  }
0x2c: {  	v4 =	vld [tilespmem:s0+$0x830]  }
0x2d: {  	v5 =	vld [tilespmem:s0+$0x880];
	[tilespmem:s0+$0x109B0] =	vst v0  }
0x2e: {  	[tilespmem:s0+$0x10800] =	vst v1;
	v0 =	vld [tilespmem:s0+$0x890]  }
0x2f: {  	[tilespmem:s0+$0x10810] =	vst v2;
	v1 =	vld [tilespmem:s0+$0x8A0]  }
0x30: {  	[tilespmem:s0+$0x10820] =	vst v3;
	v2 =	vld [tilespmem:s0+$0x8B0]  }
0x31: {  	[tilespmem:s0+$0x10830] =	vst v4;
	v3 =	vld [tilespmem:s0+$0x900]  }
0x32: {  	[tilespmem:s0+$0x10880] =	vst v5;
	v4 =	vld [tilespmem:s0+$0x910]  }
0x33: {  	[tilespmem:s0+$0x10890] =	vst v0;
	v0 =	vld [tilespmem:s0+$0x920]  }
0x34: {  	[tilespmem:s0+$0x108A0] =	vst v1;
	v1 =	vld [tilespmem:s0+$0x930]  }
0x35: {  	[tilespmem:s0+$0x108B0] =	vst v2;
	v2 =	vld [tilespmem:s0+$0x980]  }
0x36: {  	[tilespmem:s0+$0x10900] =	vst v3;
	v3 =	vld [tilespmem:s0+$0x990]  }
0x37: {  	s30 =	sshllo.u32 s29, $0x1;
	s1 =	simm.s32 $0x200;
	s8 =	simm.s32 $0x1000;
	[tilespmem:s0+$0x10910] =	vst v4;
	v4 =	vld [tilespmem:s0+$0x9A0]  }
.LBB2_3:
0x38: {  	p1 =	sne.s32 s8, $0x18800;
	v5 =	vld [tilespmem:s1+$0x9B0];
	[tilespmem:s0+$0x10920] =	vst v0  }
0x39: {  	v0 =	vld [tilespmem:s1+$0x800];
	[tilespmem:s0+$0x10930] =	vst v1  }
0x3a: {  	v1 =	vld [tilespmem:s1+$0x810];
	[tilespmem:s0+$0x10980] =	vst v2  }
0x3b: {  	v2 =	vld [tilespmem:s1+$0x820];
	[tilespmem:s0+$0x10990] =	vst v3  }
0x3c: {  	v3 =	vld [tilespmem:s1+$0x830];
	[tilespmem:s0+$0x109A0] =	vst v4;
	s0 =	smov.u32 s1  }
0x3d: {  	v4 =	vld [tilespmem:s0+$0x880];
	[tilespmem:s0+$0x109B0] =	vst v5  }
0x3e: {  	[tilespmem:s0+$0x10800] =	vst v0;
	v0 =	vld [tilespmem:s0+$0x890]  }
0x3f: {  	[tilespmem:s0+$0x10810] =	vst v1;
	v1 =	vld [tilespmem:s0+$0x8A0]  }
0x40: {  	[tilespmem:s0+$0x10820] =	vst v2;
	v2 =	vld [tilespmem:s0+$0x8B0]  }
0x41: {  	[tilespmem:s0+$0x10830] =	vst v3;
	v3 =	vld [tilespmem:s0+$0x900]  }
0x42: {  	[tilespmem:s0+$0x10880] =	vst v4;
	v4 =	vld [tilespmem:s0+$0x910]  }
.Ltmp0:
0x43: {  	[tilespmem:s0+$0x10890] =	vst v0;
	v0 =	vld [tilespmem:s0+$0x920];
	(pc) =	sbr.rel @p1 .LBB2_3-.Ltmp0, $4  }
0x44: {  	[tilespmem:s0+$0x108A0] =	vst v1;
	v1 =	vld [tilespmem:s0+$0x930]  }
0x45: {  	[tilespmem:s0+$0x108B0] =	vst v2;
	v2 =	vld [tilespmem:s0+$0x980]  }
0x46: {  	[tilespmem:s0+$0x10900] =	vst v3;
	v3 =	vld [tilespmem:s0+$0x990]  }
0x47: {  	s1 =	sshra.s32 s8, $0x2;
	s8 =	sadd.s32 $0x800, s8;
	[tilespmem:s0+$0x10910] =	vst v4;
	v4 =	vld [tilespmem:s0+$0x9A0]  }
0x48: {  	v5 =	vld [tilespmem:s1+$0x9B0];
	[tilespmem:s0+$0x10920] =	vst v0  }
0x49: {  	v0 =	vld [tilespmem:s1+$0x800];
	[tilespmem:s0+$0x10930] =	vst v1  }
0x4a: {  	v1 =	vld [tilespmem:s1+$0x810];
	[tilespmem:s0+$0x10980] =	vst v2  }
0x4b: {  	v2 =	vld [tilespmem:s1+$0x820];
	[tilespmem:s0+$0x10990] =	vst v3  }
0x4c: {  	v3 =	vld [tilespmem:s1+$0x830];
	[tilespmem:s0+$0x109A0] =	vst v4  }
0x4d: {  	v4 =	vld [tilespmem:s1+$0x880];
	[tilespmem:s1+$0x109B0] =	vst v5  }
0x4e: {  	[tilespmem:s1+$0x10800] =	vst v0;
	v0 =	vld [tilespmem:s1+$0x890]  }
0x4f: {  	[tilespmem:s1+$0x10810] =	vst v1;
	v1 =	vld [tilespmem:s1+$0x8A0]  }
0x50: {  	[tilespmem:s1+$0x10820] =	vst v2;
	v2 =	vld [tilespmem:s1+$0x8B0]  }
0x51: {  	[tilespmem:s1+$0x10830] =	vst v3;
	v3 =	vld [tilespmem:s1+$0x900]  }
0x52: {  	[tilespmem:s1+$0x10880] =	vst v4;
	v4 =	vld [tilespmem:s1+$0x910]  }
0x53: {  	[tilespmem:s1+$0x10890] =	vst v0;
	v0 =	vld [tilespmem:s1+$0x920]  }
0x54: {  	[tilespmem:s1+$0x108A0] =	vst v1;
	v1 =	vld [tilespmem:s1+$0x930]  }
0x55: {  	[tilespmem:s1+$0x108B0] =	vst v2;
	v2 =	vld [tilespmem:s1+$0x980]  }
0x56: {  	[tilespmem:s1+$0x10900] =	vst v3;
	v3 =	vld [tilespmem:s1+$0x990]  }
0x57: {  	[tilespmem:s1+$0x10910] =	vst v4;
	v4 =	vld [tilespmem:s1+$0x9A0]  }
0x58: {  	[tilespmem:s1+$0x10920] =	vst v0  }
0x59: {  	s8 =	sadd.s32 s4, s31;
	[tilespmem:s1+$0x10930] =	vst v1  }
0x5a: {  	s0 =	smul.u32 $0xC80, s8;
	[tilespmem:s1+$0x10980] =	vst v2  }
0x5b: {  	[tilespmem:s1+$0x10990] =	vst v3  }
0x5c: {  	s0 =	sadd.s32 s6, s0;
	[tilespmem:s1+$0x109A0] =	vst v4  }
0x5d: {  	[hbm4b:s0+s3] =	stream.linear.scatter [tilespmem:s22], [sflag:$0x5], $0x6400, $0x38;
	[tilespmem:$0x1D000] =	vst v63  }
0x5e: {  	_ =	swait.ge [sflag:s23], $0x4000  }
0x5f: {  	[sflag:s23] =	ssyncset.done $0x0  }
0x60: {  	s31 =	smin.u32 s31, $0x1FC;
	[sflag:s23] =	ssyncadd.s32 $0xFFFFC000  }
0x61: {  	s0 =	sadd.s32 s31, s10;
	_ =	swait.ge [sflag:s23], $0x4000  }
0x62: {  	s0 =	sshll.u32 s0, $0x7;
	[sflag:s23] =	ssyncset.done $0x0  }
0x63: {  	s0 =	sadd.s32 s5, s0;
	[sflag:s23] =	ssyncadd.s32 $0xFFFFC000  }
0x64: {  	[tilespmem:s12], [sflag:$0x2] =	stream.linear.gather [hbm4b:s0+s3], $0x400, $0x38;
	[tilespmem:$0x1D000] =	vst v63  }
0x65: {  	_ =	swait.ge [sflag:s13], $0x400  }
0x66: {  	[sflag:s13] =	ssyncset.done $0x0  }
0x67: {  	[sflag:s13] =	ssyncadd.s32 $0xFFFFFC00  }
0x68: {  	[tilespmem:s15], [sflag:$0x3] =	stream.indirect.gather [hbm4b:s2+s14], $0x80, s3, s14, $0xb8;
	[tilespmem:$0x1D000] =	vst v63  }
0x69: {  	s0 =	simm.s32 @!p0 $0x6  }
0x6a: {  	[tilespmem:s16], [sflag:$0x3] =	stream.indirect.gather [hbm4b:s2+s14], $0x80, s14, s14, $0xb8;
	[tilespmem:$0x1D000] =	vst v63  }
0x6b: {  	_ =	swait.ge @!p0 [sflag:s0], $0x6400  }
0x6c: {  	[sflag:s0] =	ssyncset.done @!p0 $0x0  }
0x6d: {  	[sflag:s0] =	ssyncadd.s32 @!p0 $0xFFFF9C00;
	s0 =	simm.s32 $0x0  }
0x6e: {  	v0 =	vld [tilespmem:s0+$0x89B0]  }
0x6f: {  	v1 =	vld [tilespmem:s0+$0x8800]  }
0x70: {  	v2 =	vld [tilespmem:s0+$0x8810]  }
0x71: {  	v3 =	vld [tilespmem:s0+$0x8820]  }
0x72: {  	v4 =	vld [tilespmem:s0+$0x8830]  }
0x73: {  	v5 =	vld [tilespmem:s0+$0x8880];
	[tilespmem:s0+$0x16DB0] =	vst v0  }
0x74: {  	[tilespmem:s0+$0x16C00] =	vst v1;
	v0 =	vld [tilespmem:s0+$0x8890]  }
0x75: {  	[tilespmem:s0+$0x16C10] =	vst v2;
	v1 =	vld [tilespmem:s0+$0x88A0]  }
0x76: {  	[tilespmem:s0+$0x16C20] =	vst v3;
	v2 =	vld [tilespmem:s0+$0x88B0]  }
0x77: {  	[tilespmem:s0+$0x16C30] =	vst v4;
	v3 =	vld [tilespmem:s0+$0x8900]  }
0x78: {  	[tilespmem:s0+$0x16C80] =	vst v5;
	v4 =	vld [tilespmem:s0+$0x8910]  }
0x79: {  	[tilespmem:s0+$0x16C90] =	vst v0;
	v0 =	vld [tilespmem:s0+$0x8920]  }
0x7a: {  	[tilespmem:s0+$0x16CA0] =	vst v1;
	v1 =	vld [tilespmem:s0+$0x8930]  }
0x7b: {  	[tilespmem:s0+$0x16CB0] =	vst v2;
	v2 =	vld [tilespmem:s0+$0x8980]  }
0x7c: {  	[tilespmem:s0+$0x16D00] =	vst v3;
	v3 =	vld [tilespmem:s0+$0x8990]  }
0x7d: {  	s8 =	simm.s32 $0x1000;
	s1 =	simm.s32 $0x200;
	[tilespmem:s0+$0x16D10] =	vst v4;
	v4 =	vld [tilespmem:s0+$0x89A0]  }
.LBB2_5:
0x7e: {  	p0 =	sne.s32 s8, $0x18800;
	v5 =	vld [tilespmem:s1+$0x89B0];
	[tilespmem:s0+$0x16D20] =	vst v0  }
0x7f: {  	v0 =	vld [tilespmem:s1+$0x8800];
	[tilespmem:s0+$0x16D30] =	vst v1  }
0x80: {  	v1 =	vld [tilespmem:s1+$0x8810];
	[tilespmem:s0+$0x16D80] =	vst v2  }
0x81: {  	v2 =	vld [tilespmem:s1+$0x8820];
	[tilespmem:s0+$0x16D90] =	vst v3  }
0x82: {  	v3 =	vld [tilespmem:s1+$0x8830];
	[tilespmem:s0+$0x16DA0] =	vst v4;
	s0 =	smov.u32 s1  }
0x83: {  	v4 =	vld [tilespmem:s0+$0x8880];
	[tilespmem:s0+$0x16DB0] =	vst v5  }
0x84: {  	[tilespmem:s0+$0x16C00] =	vst v0;
	v0 =	vld [tilespmem:s0+$0x8890]  }
0x85: {  	[tilespmem:s0+$0x16C10] =	vst v1;
	v1 =	vld [tilespmem:s0+$0x88A0]  }
0x86: {  	[tilespmem:s0+$0x16C20] =	vst v2;
	v2 =	vld [tilespmem:s0+$0x88B0]  }
0x87: {  	[tilespmem:s0+$0x16C30] =	vst v3;
	v3 =	vld [tilespmem:s0+$0x8900]  }
0x88: {  	[tilespmem:s0+$0x16C80] =	vst v4;
	v4 =	vld [tilespmem:s0+$0x8910]  }
.Ltmp1:
0x89: {  	[tilespmem:s0+$0x16C90] =	vst v0;
	v0 =	vld [tilespmem:s0+$0x8920];
	(pc) =	sbr.rel @p0 .LBB2_5-.Ltmp1, $4  }
0x8a: {  	[tilespmem:s0+$0x16CA0] =	vst v1;
	v1 =	vld [tilespmem:s0+$0x8930]  }
0x8b: {  	[tilespmem:s0+$0x16CB0] =	vst v2;
	v2 =	vld [tilespmem:s0+$0x8980]  }
0x8c: {  	[tilespmem:s0+$0x16D00] =	vst v3;
	v3 =	vld [tilespmem:s0+$0x8990]  }
0x8d: {  	s1 =	sshra.s32 s8, $0x2;
	s8 =	sadd.s32 $0x800, s8;
	[tilespmem:s0+$0x16D10] =	vst v4;
	v4 =	vld [tilespmem:s0+$0x89A0]  }
0x8e: {  	v5 =	vld [tilespmem:s1+$0x89B0];
	[tilespmem:s0+$0x16D20] =	vst v0  }
0x8f: {  	v0 =	vld [tilespmem:s1+$0x8800];
	[tilespmem:s0+$0x16D30] =	vst v1  }
0x90: {  	v1 =	vld [tilespmem:s1+$0x8810];
	[tilespmem:s0+$0x16D80] =	vst v2  }
0x91: {  	v2 =	vld [tilespmem:s1+$0x8820];
	[tilespmem:s0+$0x16D90] =	vst v3  }
0x92: {  	v3 =	vld [tilespmem:s1+$0x8830];
	[tilespmem:s0+$0x16DA0] =	vst v4  }
0x93: {  	v4 =	vld [tilespmem:s1+$0x8880];
	[tilespmem:s1+$0x16DB0] =	vst v5  }
0x94: {  	v54 =	vld [tilespmem:s1+$0x8890];
	[tilespmem:s1+$0x16C00] =	vst v0  }
0x95: {  	v55 =	vld [tilespmem:s1+$0x88A0];
	[tilespmem:s1+$0x16C10] =	vst v1  }
0x96: {  	v56 =	vld [tilespmem:s1+$0x88B0];
	[tilespmem:s1+$0x16C20] =	vst v2  }
0x97: {  	v57 =	vld [tilespmem:s1+$0x8900];
	[tilespmem:s1+$0x16C30] =	vst v3  }
0x98: {  	v58 =	vld [tilespmem:s1+$0x8910];
	[tilespmem:s1+$0x16C80] =	vst v4  }
0x99: {  	v59 =	vld [tilespmem:s1+$0x8920];
	[tilespmem:s1+$0x16C90] =	vst v54  }
0x9a: {  	v60 =	vld [tilespmem:s1+$0x8930];
	[tilespmem:s1+$0x16CA0] =	vst v55  }
0x9b: {  	v61 =	vld [tilespmem:s1+$0x8980];
	[tilespmem:s1+$0x16CB0] =	vst v56  }
0x9c: {  	v62 =	vld [tilespmem:s1+$0x8990];
	[tilespmem:s1+$0x16D00] =	vst v57  }
0x9d: {  	s29 =	sadd.s32 $0x1, s29;
	v63 =	vld [tilespmem:s1+$0x89A0];
	[tilespmem:s1+$0x16D10] =	vst v58  }
0x9e: {  	p0 =	sne.s32 s29, $0x100;
	[tilespmem:s1+$0x16D20] =	vst v59  }
.Ltmp2:
0x9f: {  	s31 =	sadd.s32 s4, s30;
	[tilespmem:s1+$0x16D30] =	vst v60;
	(pc) =	sbr.rel @p0 .LBB2_2-.Ltmp2, $4  }
0xa0: {  	s0 =	smul.u32 $0xC80, s31;
	[tilespmem:s1+$0x16D80] =	vst v61  }
0xa1: {  	[tilespmem:s1+$0x16D90] =	vst v62  }
0xa2: {  	s0 =	sadd.s32 s6, s0;
	[tilespmem:s1+$0x16DA0] =	vst v63  }
0xa3: {  	[hbm4b:s0+s3] =	stream.linear.scatter [tilespmem:s24], [sflag:$0x6], $0x6400, $0x38;
	[tilespmem:$0x1D000] =	vst v63  }
0xa4: {  	_ =	swait.ge [sflag:s17], $0x4000  }
0xa5: {  	[sflag:s17] =	ssyncset.done $0x0  }
0xa6: {  	[sflag:s17] =	ssyncadd.s32 $0xFFFFC000  }
0xa7: {  	_ =	swait.ge [sflag:s17], $0x4000  }
0xa8: {  	[sflag:s17] =	ssyncset.done $0x0  }
0xa9: {  	[sflag:s17] =	ssyncadd.s32 $0xFFFFC000  }
0xaa: {  	_ =	swait.ge [sflag:s25], $0x6400  }
0xab: {  	[sflag:s25] =	ssyncset.done $0x0  }
0xac: {  	s28 =	sadd.s32 $0x1, s28;
	[sflag:s25] =	ssyncadd.s32 $0xFFFF9C00  }
0xad: {  	p0 =	sne.s32 s28, s11;
	_ =	swait.ge [sflag:s26], $0x6400  }
.Ltmp3:
0xae: {  	[sflag:s26] =	ssyncset.done $0x0;
	(pc) =	sbr.rel @p0 .LBB2_1-.Ltmp3, $4  }
0xaf: {  	[sflag:s26] =	ssyncadd.s32 $0xFFFF9C00  }
0xb0: {  	_ =	swait.ge [sflag:s18], $0x400  }
0xb1: {  	[sflag:s18] =	ssyncset.done $0x0  }
0xb2: {  	[sflag:s18] =	ssyncadd.s32 $0xFFFFFC00  }
0xb3: {  	_ =	sfence.sel $0x180000  }
0xb4: {  	[bflag:$0x0] =	sbarrier.arrive $0xFFFF  }
0xb5: {  	_ =	strace $0x90000047  }
0xb6: {  	s0 =	stileid.u32;
	[bflag:$0x2] =	sbarrier.arrive $0xFFFF  }
0xb7: {  	p0 =	sne.s32 s0, $0x0;
	s0 =	rddreg [dreg:$0x2]  }
0xb8: {  	s0 =	sadd.s32 @!p0 $0x100000, s0  }
0xb9: {  	[sflag:s0] =	ssyncadd.tile.s32 @!p0 $0x1;
	_ =	shalt  }
.Lfunc_end2:
_tile_overlayer_lowered:
.L_overlay_start_2:
0xba: {  	(tag) =	ssettag $0x2  }
0xbb: {  	s0 =	rddreg [dreg:$0x0];
	s2 =	stileid.u32  }
0xbc: {  	s1 =	rddreg [dreg:$0x1];
	p0 =	sne.s32 s2, $0x0  }
0xbd: {  	s3 =	rddreg [dreg:$0x2];
	[bflag:$0x3] =	sbarrier.arrive $0xFFFF;
	s2 =	simm.s32 @!p0 $0x1C07  }
0xbe: {  	[timem:s3], [sflag:s2] =	dma.local @!p0 [hbm:s0], s1  }
0xbf: {  	s0 =	simm.s32 @!p0 $0x7  }
0xc0: {  	_ =	swait.ge @!p0 [sflag:s0], s1  }
0xc1: {  	s1 =	ssub.s32 @!p0 $0x0, s1;
	[sflag:s0] =	ssyncset.done @!p0 $0x0  }
0xc2: {  	[sflag:s0] =	ssyncadd.s32 @!p0 s1  }
0xc3: {  	[bflag:$0x3] =	sbarrier.arrive $0xFFFF  }
0xc4: {  	_ =	shalt  }

</sc_bundles>
